<compile_context>
chip_gen: v7x
topology: tpu7x:2x2x1
jax: 0.10.2.dev20260603
libtpu: 0.0.44.dev20260713+nightly
codegen_flags: <defaults>
</compile_context>

<pallas_src>
import functools

import jax
import jax.numpy as jnp
from jax import lax
from jax.experimental import pallas as pl
from jax.experimental.pallas import tpu as pltpu
from jax.experimental.pallas import tpu_sc as plsc

N = 10000
E = 320000
D = 128
HID = 16
NG = 128

NC, NS = 2, 16
NW = NC * NS
CHUNK = 128
SLICE = 632
NPAD = NS * SLICE
C = 80
EPT = C * CHUNK
E_PAD = NW * EPT
K = 4
NBODY = C // (2 * K)
W = 16

_mesh = plsc.VectorSubcoreMesh(
    core_axis_name="c", subcore_axis_name="s", num_cores=NC, num_subcores=NS)
_sc_params = pltpu.CompilerParams(use_tc_tiling_on_sc=False)


@functools.partial(
    pl.kernel,
    mesh=_mesh,
    compiler_params=_sc_params,
    out_type=jax.ShapeDtypeStruct((NC, NPAD), jnp.float32),
    scratch_types=[
        pltpu.VMEM((C, CHUNK), jnp.int32),
        pltpu.VMEM((CHUNK,), jnp.float32),
        pltpu.VMEM((SLICE,), jnp.float32),
        pltpu.VMEM_SHARED((NPAD,), jnp.float32),
        pltpu.SemaphoreType.DMA,
    ],
)
def _deg_kernel(dst_hbm, out_hbm, idx_v, ones_v, stage_v, deg_sp, sem):
    c = lax.axis_index("c")
    s = lax.axis_index("s")
    w = c * NS + s

    @pl.loop(0, CHUNK // 16)
    def _(i):
        ones_v[pl.ds(i * 16, 16)] = jnp.ones((16,), jnp.float32)

    @pl.loop(0, SLICE // 16)
    def _(i):
        stage_v[pl.ds(i * 16, 16)] = jnp.zeros((16,), jnp.float32)

    pltpu.sync_copy(stage_v, deg_sp.at[pl.ds(s * SLICE, SLICE)])
    pltpu.sync_copy(dst_hbm.at[w], idx_v)
    plsc.subcore_barrier()

    @pl.loop(0, W)
    def _(j):
        pltpu.async_copy(ones_v, deg_sp.at[idx_v.at[j]], sem, add=True)

    @pl.loop(W, C)
    def _(j):
        pltpu.make_async_copy(ones_v, deg_sp.at[idx_v.at[j - W]], sem).wait()
        pltpu.async_copy(ones_v, deg_sp.at[idx_v.at[j]], sem, add=True)

    @pl.loop(C - W, C)
    def _(j):
        pltpu.make_async_copy(ones_v, deg_sp.at[idx_v.at[j]], sem).wait()

    plsc.subcore_barrier()
    pltpu.sync_copy(deg_sp.at[pl.ds(s * SLICE, SLICE)], stage_v)
    pltpu.sync_copy(stage_v, out_hbm.at[c, pl.ds(s * SLICE, SLICE)])


@functools.partial(
    pl.kernel,
    mesh=_mesh,
    compiler_params=_sc_params,
    out_type=jax.ShapeDtypeStruct((NC, NPAD, HID), jnp.float32),
    scratch_types=[
        pltpu.VMEM((C, CHUNK), jnp.int32),
        pltpu.VMEM((C, CHUNK), jnp.int32),
        pltpu.VMEM((K, CHUNK, HID), jnp.float32),
        pltpu.VMEM((K, CHUNK, HID), jnp.float32),
        pltpu.VMEM((SLICE, HID), jnp.float32),
        pltpu.VMEM_SHARED((NPAD, HID), jnp.float32),
        pltpu.SemaphoreType.DMA,
        pltpu.SemaphoreType.DMA,
        pltpu.SemaphoreType.DMA,
        pltpu.SemaphoreType.DMA,
    ],
)
def _msg_kernel(g_hbm, src_hbm, dst_hbm, out_hbm,
                si_v, di_v, rows_a, rows_b, stage_v, acc_sp,
                gsem_a, gsem_b, ssem_a, ssem_b):
    c = lax.axis_index("c")
    s = lax.axis_index("s")
    w = c * NS + s

    @pl.loop(0, SLICE)
    def _(i):
        stage_v[i, :] = jnp.zeros((HID,), jnp.float32)

    pltpu.sync_copy(stage_v, acc_sp.at[pl.ds(s * SLICE, SLICE)])
    pltpu.sync_copy(src_hbm.at[w], si_v)
    pltpu.sync_copy(dst_hbm.at[w], di_v)
    plsc.subcore_barrier()

    for b in range(K):
        pltpu.async_copy(g_hbm.at[si_v.at[b]], rows_a.at[b], gsem_a)

    @pl.loop(0, NBODY)
    def _(it):
        j0 = it * 2 * K
        for b in range(K):
            pltpu.make_async_copy(
                g_hbm.at[si_v.at[j0 + b]], rows_a.at[b], gsem_a).wait()
        for b in range(K):
            pltpu.async_copy(
                rows_a.at[b], acc_sp.at[di_v.at[j0 + b]], ssem_a, add=True)

        @pl.when(it > 0)
        def _():
            for b in range(K):
                pltpu.make_async_copy(
                    rows_b.at[b], acc_sp.at[di_v.at[j0 - K + b]],
                    ssem_b).wait()

        for b in range(K):
            pltpu.async_copy(
                g_hbm.at[si_v.at[j0 + K + b]], rows_b.at[b], gsem_b)
        for b in range(K):
            pltpu.make_async_copy(
                g_hbm.at[si_v.at[j0 + K + b]], rows_b.at[b], gsem_b).wait()
        for b in range(K):
            pltpu.async_copy(
                rows_b.at[b], acc_sp.at[di_v.at[j0 + K + b]], ssem_b, add=True)

        @pl.when(it + 1 < NBODY)
        def _():
            for b in range(K):
                pltpu.make_async_copy(
                    rows_a.at[b], acc_sp.at[di_v.at[j0 + b]], ssem_a).wait()
            for b in range(K):
                pltpu.async_copy(
                    g_hbm.at[si_v.at[j0 + 2 * K + b]], rows_a.at[b], gsem_a)

    jl = (NBODY - 1) * 2 * K
    for b in range(K):
        pltpu.make_async_copy(
            rows_a.at[b], acc_sp.at[di_v.at[jl + b]], ssem_a).wait()
    for b in range(K):
        pltpu.make_async_copy(
            rows_b.at[b], acc_sp.at[di_v.at[jl + K + b]], ssem_b).wait()

    plsc.subcore_barrier()
    pltpu.sync_copy(acc_sp.at[pl.ds(s * SLICE, SLICE)], stage_v)
    pltpu.sync_copy(stage_v, out_hbm.at[c, pl.ds(s * SLICE, SLICE)])


def _prep_body(x_ref, w1_ref, d0_ref, d1_ref, g_ref, dinv_ref):
    deg = 1.0 + d0_ref[...] + d1_ref[...]
    dinv = lax.rsqrt(deg)
    h = jnp.dot(x_ref[...], w1_ref[...], preferred_element_type=jnp.float32)
    g_ref[...] = h * dinv
    dinv_ref[...] = dinv


def _head_body(p0_ref, p1_ref, g_ref, dinv_ref, batch_ref, b1_ref,
               w2_ref, b2_ref, out_ref):
    acc = p0_ref[...] + p1_ref[...] + g_ref[...]
    out = acc * dinv_ref[...] + b1_ref[...]
    r = jnp.maximum(out, 0.0)
    gid = lax.broadcasted_iota(jnp.int32, (1, NG), 1)
    onehot = (batch_ref[...] == gid).astype(jnp.float32)
    dn = (((0,), (0,)), ((), ()))
    sums = lax.dot_general(onehot, r, dn, preferred_element_type=jnp.float32)
    cnt = lax.dot_general(onehot, jnp.ones((NPAD, 1), jnp.float32), dn,
                          preferred_element_type=jnp.float32)
    pooled = sums / jnp.maximum(cnt, 1.0)
    out_ref[...] = (jnp.dot(pooled, w2_ref[...],
                            preferred_element_type=jnp.float32) + b2_ref[...])


def kernel(x, edge_index, batch, W1, b1, W2, b2):
    src = edge_index[0]
    dst = edge_index[1]
    pad_e = E_PAD - E
    src_p = jnp.concatenate([src, jnp.full((pad_e,), N, jnp.int32)])
    dst_p = jnp.concatenate([dst, jnp.full((pad_e,), N, jnp.int32)])
    src3d = src_p.reshape(NW, C, CHUNK)
    dst3d = dst_p.reshape(NW, C, CHUNK)
    x_p = jnp.pad(x, ((0, NPAD - N), (0, 0)))
    batch_p = jnp.concatenate(
        [batch, jnp.full((NPAD - N,), NG, jnp.int32)]).reshape(NPAD, 1)

    deg_parts = _deg_kernel(dst3d)
    d0 = deg_parts[0].reshape(NPAD, 1)
    d1 = deg_parts[1].reshape(NPAD, 1)

    g, dinv = pl.pallas_call(
        _prep_body,
        out_shape=(jax.ShapeDtypeStruct((NPAD, HID), jnp.float32),
                   jax.ShapeDtypeStruct((NPAD, 1), jnp.float32)),
    )(x_p, W1, d0, d1)

    acc_parts = _msg_kernel(g, src3d, dst3d)

    logits = pl.pallas_call(
        _head_body,
        out_shape=jax.ShapeDtypeStruct((NG, 10), jnp.float32),
    )(acc_parts[0], acc_parts[1], g, dinv, batch_p,
      b1.reshape(1, HID), W2, b2.reshape(1, 10))
    return logits

# --- scband reference (transcript-rebuilt; emitter-appended) ---
"""Pipeline reference for scband-net-85186381349135 (READ-ONLY COPY).

The authoritative reference and input builder live on the scoring server;
editing this copy changes nothing except your own understanding.
"""

import jax, jax.numpy as jnp
import numpy as np

N_NODES = 10000
N_EDGES = 320000
D_FEAT = 128
HIDDEN = 16
NUM_CLASSES = 10
NUM_GRAPHS = 128


def setup_inputs(seed: int = 0) -> dict:
    key = jax.random.key(seed)
    ks = jax.random.split(key, 8)
    x = jax.random.normal(ks[0], (N_NODES, D_FEAT), dtype=jnp.float32)
    edge_index = jax.random.randint(ks[1], (2, N_EDGES), 0, N_NODES, dtype=jnp.int32)
    batch = jnp.sort(jax.random.randint(ks[2], (N_NODES,), 0, NUM_GRAPHS, dtype=jnp.int32))
    # GCNConv params: weight [in, out] with glorot-ish scale, bias zeros
    W1 = jax.random.normal(ks[3], (D_FEAT, HIDDEN), dtype=jnp.float32) * (1.0 / np.sqrt(D_FEAT))
    b1 = jnp.zeros((HIDDEN,), dtype=jnp.float32)
    # final Linear params
    W2 = jax.random.normal(ks[4], (HIDDEN, NUM_CLASSES), dtype=jnp.float32) * (1.0 / np.sqrt(HIDDEN))
    b2 = jnp.zeros((NUM_CLASSES,), dtype=jnp.float32)
    return {"x": x, "edge_index": edge_index, "batch": batch,
            "W1": W1, "b1": b1, "W2": W2, "b2": b2}


def _gcn_conv(x, edge_index, W, b):
    # PyG GCNConv default: add self-loops + symmetric normalization
    n = x.shape[0]
    loop = jnp.arange(n, dtype=edge_index.dtype)
    src = jnp.concatenate([edge_index[0], loop])
    dst = jnp.concatenate([edge_index[1], loop])
    deg = jnp.zeros((n,), dtype=x.dtype).at[dst].add(1.0)
    dinv = jax.lax.rsqrt(deg)  # deg >= 1 due to self loops
    norm = dinv[src] * dinv[dst]
    h = x @ W
    msg = h[src] * norm[:, None]
    out = jax.ops.segment_sum(msg, dst, num_segments=n)
    return out + b


def reference(x, edge_index, batch, W1, b1, W2, b2):
    h = _gcn_conv(x, edge_index, W1, b1)
    h = jax.nn.relu(h)
    # global_mean_pool over graph ids
    sums = jax.ops.segment_sum(h, batch, num_segments=NUM_GRAPHS)
    cnt = jax.ops.segment_sum(jnp.ones((h.shape[0],), dtype=h.dtype), batch, num_segments=NUM_GRAPHS)
    pooled = sums / jnp.clip(cnt, 1.0)[:, None]
    logits = pooled @ W2 + b2
    return logits

if __name__ == "__main__":
    import jax
    _d = setup_inputs()
    print(jax.jit(kernel)(*tuple(_d.values())))

</pallas_src>

<mosaic_0001>
#map = affine_map<(d0, d1) -> (0, 0, 0)>
#map1 = affine_map<(d0, d1) -> (0, 0)>
module attributes {stable_mosaic.version = 14 : i64} {
  func.func @_deg_kernel(%arg0: i32, %arg1: i32, %arg2: memref<32x80x128xi32, #tpu.memory_space<hbm>>, %arg3: memref<2x10112xf32, #tpu.memory_space<hbm>>, %arg4: memref<80x128xi32, #tpu.memory_space<vmem>>, %arg5: memref<128xf32, #tpu.memory_space<vmem>>, %arg6: memref<632xf32, #tpu.memory_space<vmem>>, %arg7: memref<10112xf32, #tpu.memory_space<vmem_shared>>, %arg8: memref<!tpu.dma_semaphore, #tpu.memory_space<semaphore_mem>>) attributes {dimension_semantics = [#tpu.dimension_semantics<core_parallel>, #tpu.dimension_semantics<subcore_parallel>], iteration_bounds = array<i64: 2, 16>, scalar_prefetch = 0 : i64, scratch_operands = 5 : i64, tpu.core_type = #tpu.core_type<sc_vector_subcore>, window_params = [{transform_indices = #map}, {transform_indices = #map1}]} {
    %mul3A = arith.constant 16 : i32
    %mul3A_0 = arith.muli %arg0, %mul3A : i32
    %add3A = arith.addi %mul3A_0, %arg1 : i32
    %scan3A = arith.constant 0 : i32
    %scan3A_1 = arith.constant 8 : i32
    %scan3A_2 = arith.addi %scan3A, %scan3A_1 : i32
    %scan3A_3 = arith.constant 1 : i32
    scf.for %scan3A_32 = %scan3A to %scan3A_2 step %scan3A_3  : i32 {
      %mul3A_33 = arith.constant 1 : i32
      %mul3A_34 = arith.muli %scan3A_32, %mul3A_33 : i32
      %add3A_35 = arith.constant 0 : i32
      %add3A_36 = arith.addi %add3A_35, %mul3A_34 : i32
      %broadcast_in_dim3A = arith.constant 1.000000e+00 : f32
      %broadcast_in_dim3A_37 = vector.broadcast %broadcast_in_dim3A : f32 to vector<16xf32>
      %mul3A_38 = arith.constant 16 : i32
      %mul3A_39 = arith.muli %add3A_36, %mul3A_38 : i32
      %swap3A = arith.index_cast %mul3A_39 : i32 to index
      %swap3A_40 = tpu.vector_load %arg5[%swap3A] {strides = array<i32>} : memref<128xf32, #tpu.memory_space<vmem>>, vector<16xf32>,
      %swap3A_41 = vector.shape_cast %swap3A_40 : vector<16xf32> to vector<16xf32>
      %swap3A_42 = vector.shape_cast %broadcast_in_dim3A_37 : vector<16xf32> to vector<16xf32>
      tpu.vector_store %arg5[%swap3A], %swap3A_42 {strides = array<i32>} : memref<128xf32, #tpu.memory_space<vmem>>, vector<16xf32>,
    }
    %scan3A_4 = arith.constant 8 : i32
    %scan3A_5 = arith.constant 0 : i32
    %scan3A_6 = arith.constant 39 : i32
    %scan3A_7 = arith.addi %scan3A_5, %scan3A_6 : i32
    %scan3A_8 = arith.constant 1 : i32
    scf.for %scan3A_32 = %scan3A_5 to %scan3A_7 step %scan3A_8  : i32 {
      %mul3A_33 = arith.constant 1 : i32
      %mul3A_34 = arith.muli %scan3A_32, %mul3A_33 : i32
      %add3A_35 = arith.constant 0 : i32
      %add3A_36 = arith.addi %add3A_35, %mul3A_34 : i32
      %broadcast_in_dim3A = arith.constant 0.000000e+00 : f32
      %broadcast_in_dim3A_37 = vector.broadcast %broadcast_in_dim3A : f32 to vector<16xf32>
      %mul3A_38 = arith.constant 16 : i32
      %mul3A_39 = arith.muli %add3A_36, %mul3A_38 : i32
      %swap3A = arith.index_cast %mul3A_39 : i32 to index
      %swap3A_40 = tpu.vector_load %arg6[%swap3A] {strides = array<i32>} : memref<632xf32, #tpu.memory_space<vmem>>, vector<16xf32>,
      %swap3A_41 = vector.shape_cast %swap3A_40 : vector<16xf32> to vector<16xf32>
      %swap3A_42 = vector.shape_cast %broadcast_in_dim3A_37 : vector<16xf32> to vector<16xf32>
      tpu.vector_store %arg6[%swap3A], %swap3A_42 {strides = array<i32>} : memref<632xf32, #tpu.memory_space<vmem>>, vector<16xf32>,
    }
    %scan3A_9 = arith.constant 39 : i32
    %mul3A_10 = arith.constant 632 : i32
    %mul3A_11 = arith.muli %arg1, %mul3A_10 : i32
    "tpu.region"() ({
      %run_scoped3A = tpu.sem_alloc : memref<!tpu.dma_semaphore, #tpu.memory_space<semaphore_mem>>
      %dma_start3A = tpu.memref_slice %arg7[%mul3A_11] : memref<10112xf32, #tpu.memory_space<vmem_shared>> -> memref<632xf32, #tpu.memory_space<vmem_shared>>
      %dma_start3A_32 = tpu.memref_slice %arg7[%mul3A_11] : memref<10112xf32, #tpu.memory_space<vmem_shared>> -> memref<632xf32, #tpu.memory_space<vmem_shared>>
      tpu.enqueue_dma source(%arg6 : memref<632xf32, #tpu.memory_space<vmem>>) target(%dma_start3A_32 : memref<632xf32, #tpu.memory_space<vmem_shared>>) target_semaphore(%run_scoped3A : memref<!tpu.dma_semaphore, #tpu.memory_space<semaphore_mem>>)
      %dma_wait3A = tpu.memref_slice %arg7[%mul3A_11] : memref<10112xf32, #tpu.memory_space<vmem_shared>> -> memref<632xf32, #tpu.memory_space<vmem_shared>>
      %dma_wait3A_33 = tpu.memref_slice %arg7[%mul3A_11] : memref<10112xf32, #tpu.memory_space<vmem_shared>> -> memref<632xf32, #tpu.memory_space<vmem_shared>>
      tpu.wait_dma2 semaphore(%run_scoped3A : memref<!tpu.dma_semaphore, #tpu.memory_space<semaphore_mem>>) src(%arg6 : memref<632xf32, #tpu.memory_space<vmem>>) dst(%dma_wait3A_33 : memref<632xf32, #tpu.memory_space<vmem_shared>>)
      tpu.yield
    }) : () -> ()
    "tpu.region"() ({
      %run_scoped3A = tpu.sem_alloc : memref<!tpu.dma_semaphore, #tpu.memory_space<semaphore_mem>>
      %dma_start3A = arith.constant 0 : i32
      %dma_start3A_32 = arith.constant 0 : i32
      %dma_start3A_33 = tpu.memref_slice %arg2[%add3A, %dma_start3A, %dma_start3A_32] : memref<32x80x128xi32, #tpu.memory_space<hbm>> -> memref<1x80x128xi32, #tpu.memory_space<hbm>>
      %dma_start3A_34 = tpu.memref_squeeze %dma_start3A_33 : memref<1x80x128xi32, #tpu.memory_space<hbm>> -> memref<80x128xi32, #tpu.memory_space<hbm>>
      %dma_start3A_35 = arith.constant 0 : i32
      %dma_start3A_36 = arith.constant 0 : i32
      %dma_start3A_37 = tpu.memref_slice %arg2[%add3A, %dma_start3A_35, %dma_start3A_36] : memref<32x80x128xi32, #tpu.memory_space<hbm>> -> memref<1x80x128xi32, #tpu.memory_space<hbm>>
      %dma_start3A_38 = tpu.memref_squeeze %dma_start3A_37 : memref<1x80x128xi32, #tpu.memory_space<hbm>> -> memref<80x128xi32, #tpu.memory_space<hbm>>
      tpu.enqueue_dma source(%dma_start3A_38 : memref<80x128xi32, #tpu.memory_space<hbm>>) target(%arg4 : memref<80x128xi32, #tpu.memory_space<vmem>>) target_semaphore(%run_scoped3A : memref<!tpu.dma_semaphore, #tpu.memory_space<semaphore_mem>>)
      %dma_wait3A = arith.constant 0 : i32
      %dma_wait3A_39 = arith.constant 0 : i32
      %dma_wait3A_40 = tpu.memref_slice %arg2[%add3A, %dma_wait3A, %dma_wait3A_39] : memref<32x80x128xi32, #tpu.memory_space<hbm>> -> memref<1x80x128xi32, #tpu.memory_space<hbm>>
      %dma_wait3A_41 = tpu.memref_squeeze %dma_wait3A_40 : memref<1x80x128xi32, #tpu.memory_space<hbm>> -> memref<80x128xi32, #tpu.memory_space<hbm>>
      %dma_wait3A_42 = arith.constant 0 : i32
      %dma_wait3A_43 = arith.constant 0 : i32
      %dma_wait3A_44 = tpu.memref_slice %arg2[%add3A, %dma_wait3A_42, %dma_wait3A_43] : memref<32x80x128xi32, #tpu.memory_space<hbm>> -> memref<1x80x128xi32, #tpu.memory_space<hbm>>
      %dma_wait3A_45 = tpu.memref_squeeze %dma_wait3A_44 : memref<1x80x128xi32, #tpu.memory_space<hbm>> -> memref<80x128xi32, #tpu.memory_space<hbm>>
      tpu.wait_dma2 semaphore(%run_scoped3A : memref<!tpu.dma_semaphore, #tpu.memory_space<semaphore_mem>>) src(%dma_wait3A_45 : memref<80x128xi32, #tpu.memory_space<hbm>>) dst(%arg4 : memref<80x128xi32, #tpu.memory_space<vmem>>)
      tpu.yield
    }) : () -> ()
    %barrier3A = arith.constant 0 : index
    tpu.barrier barrier_id(%barrier3A)
    %scan3A_12 = arith.constant 0 : i32
    %scan3A_13 = arith.constant 16 : i32
    %scan3A_14 = arith.addi %scan3A_12, %scan3A_13 : i32
    %scan3A_15 = arith.constant 1 : i32
    scf.for %scan3A_32 = %scan3A_12 to %scan3A_14 step %scan3A_15  : i32 {
      %mul3A_33 = arith.constant 1 : i32
      %mul3A_34 = arith.muli %scan3A_32, %mul3A_33 : i32
      %add3A_35 = arith.constant 0 : i32
      %add3A_36 = arith.addi %add3A_35, %mul3A_34 : i32
      %dma_start3A = arith.constant 0 : i32
      %dma_start3A_37 = tpu.memref_slice %arg4[%add3A_36, %dma_start3A] : memref<80x128xi32, #tpu.memory_space<vmem>> -> memref<1x128xi32, #tpu.memory_space<vmem>>
      %dma_start3A_38 = tpu.memref_squeeze %dma_start3A_37 : memref<1x128xi32, #tpu.memory_space<vmem>> -> memref<128xi32, #tpu.memory_space<vmem>>
      %dma_start3A_39 = arith.constant 0 : i32
      %dma_start3A_40 = tpu.memref_slice %arg7[%dma_start3A_39] : memref<10112xf32, #tpu.memory_space<vmem_shared>> -> memref<10112xf32, #tpu.memory_space<vmem_shared>>
      tpu.enqueue_indirect_dma source(%arg5 : memref<128xf32, #tpu.memory_space<vmem>>) target(%dma_start3A_40 : memref<10112xf32, #tpu.memory_space<vmem_shared>>) offsets(%dma_start3A_38 : memref<128xi32, #tpu.memory_space<vmem>>) semaphore(%arg8 : memref<!tpu.dma_semaphore, #tpu.memory_space<semaphore_mem>>) {add = true}
    }
    %scan3A_16 = arith.constant 16 : i32
    %scan3A_17 = arith.constant 0 : i32
    %scan3A_18 = arith.constant 64 : i32
    %scan3A_19 = arith.addi %scan3A_17, %scan3A_18 : i32
    %scan3A_20 = arith.constant 1 : i32
    scf.for %scan3A_32 = %scan3A_17 to %scan3A_19 step %scan3A_20  : i32 {
      %mul3A_33 = arith.constant 1 : i32
      %mul3A_34 = arith.muli %scan3A_32, %mul3A_33 : i32
      %add3A_35 = arith.constant 16 : i32
      %add3A_36 = arith.addi %add3A_35, %mul3A_34 : i32
      %sub3A = arith.constant 16 : i32
      %sub3A_37 = arith.subi %add3A_36, %sub3A : i32
      %dma_wait3A = arith.constant 0 : i32
      %dma_wait3A_38 = tpu.memref_slice %arg4[%sub3A_37, %dma_wait3A] : memref<80x128xi32, #tpu.memory_space<vmem>> -> memref<1x128xi32, #tpu.memory_space<vmem>>
      %dma_wait3A_39 = tpu.memref_squeeze %dma_wait3A_38 : memref<1x128xi32, #tpu.memory_space<vmem>> -> memref<128xi32, #tpu.memory_space<vmem>>
      %dma_wait3A_40 = arith.constant 0 : i32
      %dma_wait3A_41 = tpu.memref_slice %arg7[%dma_wait3A_40] : memref<10112xf32, #tpu.memory_space<vmem_shared>> -> memref<10112xf32, #tpu.memory_space<vmem_shared>>
      tpu.wait_indirect_dma semaphore(%arg8 : memref<!tpu.dma_semaphore, #tpu.memory_space<semaphore_mem>>) src(%arg5 : memref<128xf32, #tpu.memory_space<vmem>>) dst(%dma_wait3A_41 : memref<10112xf32, #tpu.memory_space<vmem_shared>>)
      %dma_start3A = arith.constant 0 : i32
      %dma_start3A_42 = tpu.memref_slice %arg4[%add3A_36, %dma_start3A] : memref<80x128xi32, #tpu.memory_space<vmem>> -> memref<1x128xi32, #tpu.memory_space<vmem>>
      %dma_start3A_43 = tpu.memref_squeeze %dma_start3A_42 : memref<1x128xi32, #tpu.memory_space<vmem>> -> memref<128xi32, #tpu.memory_space<vmem>>
      %dma_start3A_44 = arith.constant 0 : i32
      %dma_start3A_45 = tpu.memref_slice %arg7[%dma_start3A_44] : memref<10112xf32, #tpu.memory_space<vmem_shared>> -> memref<10112xf32, #tpu.memory_space<vmem_shared>>
      tpu.enqueue_indirect_dma source(%arg5 : memref<128xf32, #tpu.memory_space<vmem>>) target(%dma_start3A_45 : memref<10112xf32, #tpu.memory_space<vmem_shared>>) offsets(%dma_start3A_43 : memref<128xi32, #tpu.memory_space<vmem>>) semaphore(%arg8 : memref<!tpu.dma_semaphore, #tpu.memory_space<semaphore_mem>>) {add = true}
    }
    %scan3A_21 = arith.constant 64 : i32
    %scan3A_22 = arith.constant 0 : i32
    %scan3A_23 = arith.constant 16 : i32
    %scan3A_24 = arith.addi %scan3A_22, %scan3A_23 : i32
    %scan3A_25 = arith.constant 1 : i32
    scf.for %scan3A_32 = %scan3A_22 to %scan3A_24 step %scan3A_25  : i32 {
      %mul3A_33 = arith.constant 1 : i32
      %mul3A_34 = arith.muli %scan3A_32, %mul3A_33 : i32
      %add3A_35 = arith.constant 64 : i32
      %add3A_36 = arith.addi %add3A_35, %mul3A_34 : i32
      %dma_wait3A = arith.constant 0 : i32
      %dma_wait3A_37 = tpu.memref_slice %arg4[%add3A_36, %dma_wait3A] : memref<80x128xi32, #tpu.memory_space<vmem>> -> memref<1x128xi32, #tpu.memory_space<vmem>>
      %dma_wait3A_38 = tpu.memref_squeeze %dma_wait3A_37 : memref<1x128xi32, #tpu.memory_space<vmem>> -> memref<128xi32, #tpu.memory_space<vmem>>
      %dma_wait3A_39 = arith.constant 0 : i32
      %dma_wait3A_40 = tpu.memref_slice %arg7[%dma_wait3A_39] : memref<10112xf32, #tpu.memory_space<vmem_shared>> -> memref<10112xf32, #tpu.memory_space<vmem_shared>>
      tpu.wait_indirect_dma semaphore(%arg8 : memref<!tpu.dma_semaphore, #tpu.memory_space<semaphore_mem>>) src(%arg5 : memref<128xf32, #tpu.memory_space<vmem>>) dst(%dma_wait3A_40 : memref<10112xf32, #tpu.memory_space<vmem_shared>>)
    }
    %scan3A_26 = arith.constant 16 : i32
    %barrier3A_27 = arith.constant 0 : index
    tpu.barrier barrier_id(%barrier3A_27)
    %mul3A_28 = arith.constant 632 : i32
    %mul3A_29 = arith.muli %arg1, %mul3A_28 : i32
    "tpu.region"() ({
      %run_scoped3A = tpu.sem_alloc : memref<!tpu.dma_semaphore, #tpu.memory_space<semaphore_mem>>
      %dma_start3A = tpu.memref_slice %arg7[%mul3A_29] : memref<10112xf32, #tpu.memory_space<vmem_shared>> -> memref<632xf32, #tpu.memory_space<vmem_shared>>
      %dma_start3A_32 = tpu.memref_slice %arg7[%mul3A_29] : memref<10112xf32, #tpu.memory_space<vmem_shared>> -> memref<632xf32, #tpu.memory_space<vmem_shared>>
      tpu.enqueue_dma source(%dma_start3A_32 : memref<632xf32, #tpu.memory_space<vmem_shared>>) target(%arg6 : memref<632xf32, #tpu.memory_space<vmem>>) target_semaphore(%run_scoped3A : memref<!tpu.dma_semaphore, #tpu.memory_space<semaphore_mem>>)
      %dma_wait3A = tpu.memref_slice %arg7[%mul3A_29] : memref<10112xf32, #tpu.memory_space<vmem_shared>> -> memref<632xf32, #tpu.memory_space<vmem_shared>>
      %dma_wait3A_33 = tpu.memref_slice %arg7[%mul3A_29] : memref<10112xf32, #tpu.memory_space<vmem_shared>> -> memref<632xf32, #tpu.memory_space<vmem_shared>>
      tpu.wait_dma2 semaphore(%run_scoped3A : memref<!tpu.dma_semaphore, #tpu.memory_space<semaphore_mem>>) src(%dma_wait3A_33 : memref<632xf32, #tpu.memory_space<vmem_shared>>) dst(%arg6 : memref<632xf32, #tpu.memory_space<vmem>>)
      tpu.yield
    }) : () -> ()
    %mul3A_30 = arith.constant 632 : i32
    %mul3A_31 = arith.muli %arg1, %mul3A_30 : i32
    "tpu.region"() ({
      %run_scoped3A = tpu.sem_alloc : memref<!tpu.dma_semaphore, #tpu.memory_space<semaphore_mem>>
      %dma_start3A = tpu.memref_slice %arg3[%arg0, %mul3A_31] : memref<2x10112xf32, #tpu.memory_space<hbm>> -> memref<1x632xf32, #tpu.memory_space<hbm>>
      %dma_start3A_32 = tpu.memref_squeeze %dma_start3A : memref<1x632xf32, #tpu.memory_space<hbm>> -> memref<632xf32, #tpu.memory_space<hbm>>
      %dma_start3A_33 = tpu.memref_slice %arg3[%arg0, %mul3A_31] : memref<2x10112xf32, #tpu.memory_space<hbm>> -> memref<1x632xf32, #tpu.memory_space<hbm>>
      %dma_start3A_34 = tpu.memref_squeeze %dma_start3A_33 : memref<1x632xf32, #tpu.memory_space<hbm>> -> memref<632xf32, #tpu.memory_space<hbm>>
      tpu.enqueue_dma source(%arg6 : memref<632xf32, #tpu.memory_space<vmem>>) target(%dma_start3A_34 : memref<632xf32, #tpu.memory_space<hbm>>) target_semaphore(%run_scoped3A : memref<!tpu.dma_semaphore, #tpu.memory_space<semaphore_mem>>)
      %dma_wait3A = tpu.memref_slice %arg3[%arg0, %mul3A_31] : memref<2x10112xf32, #tpu.memory_space<hbm>> -> memref<1x632xf32, #tpu.memory_space<hbm>>
      %dma_wait3A_35 = tpu.memref_squeeze %dma_wait3A : memref<1x632xf32, #tpu.memory_space<hbm>> -> memref<632xf32, #tpu.memory_space<hbm>>
      %dma_wait3A_36 = tpu.memref_slice %arg3[%arg0, %mul3A_31] : memref<2x10112xf32, #tpu.memory_space<hbm>> -> memref<1x632xf32, #tpu.memory_space<hbm>>
      %dma_wait3A_37 = tpu.memref_squeeze %dma_wait3A_36 : memref<1x632xf32, #tpu.memory_space<hbm>> -> memref<632xf32, #tpu.memory_space<hbm>>
      tpu.wait_dma2 semaphore(%run_scoped3A : memref<!tpu.dma_semaphore, #tpu.memory_space<semaphore_mem>>) src(%arg6 : memref<632xf32, #tpu.memory_space<vmem>>) dst(%dma_wait3A_37 : memref<632xf32, #tpu.memory_space<hbm>>)
      tpu.yield
    }) : () -> ()
    return
  }
}

#map = affine_map<(d0, d1) -> (0, 0)>
#map1 = affine_map<(d0, d1) -> (0, 0, 0)>
module attributes {stable_mosaic.version = 14 : i64} {
  func.func @_msg_kernel(%arg0: i32, %arg1: i32, %arg2: memref<10112x16xf32, #tpu.memory_space<hbm>>, %arg3: memref<32x80x128xi32, #tpu.memory_space<hbm>>, %arg4: memref<32x80x128xi32, #tpu.memory_space<hbm>>, %arg5: memref<2x10112x16xf32, #tpu.memory_space<hbm>>, %arg6: memref<80x128xi32, #tpu.memory_space<vmem>>, %arg7: memref<80x128xi32, #tpu.memory_space<vmem>>, %arg8: memref<4x128x16xf32, #tpu.memory_space<vmem>>, %arg9: memref<4x128x16xf32, #tpu.memory_space<vmem>>, %arg10: memref<632x16xf32, #tpu.memory_space<vmem>>, %arg11: memref<10112x16xf32, #tpu.memory_space<vmem_shared>>, %arg12: memref<!tpu.dma_semaphore, #tpu.memory_space<semaphore_mem>>, %arg13: memref<!tpu.dma_semaphore, #tpu.memory_space<semaphore_mem>>, %arg14: memref<!tpu.dma_semaphore, #tpu.memory_space<semaphore_mem>>, %arg15: memref<!tpu.dma_semaphore, #tpu.memory_space<semaphore_mem>>) attributes {dimension_semantics = [#tpu.dimension_semantics<core_parallel>, #tpu.dimension_semantics<subcore_parallel>], iteration_bounds = array<i64: 2, 16>, scalar_prefetch = 0 : i64, scratch_operands = 10 : i64, tpu.core_type = #tpu.core_type<sc_vector_subcore>, window_params = [{transform_indices = #map}, {transform_indices = #map1}, {transform_indices = #map1}, {transform_indices = #map1}]} {
    %mul3A = arith.constant 16 : i32
    %mul3A_0 = arith.muli %arg0, %mul3A : i32
    %add3A = arith.addi %mul3A_0, %arg1 : i32
    %scan3A = arith.constant 0 : i32
    %scan3A_1 = arith.constant 632 : i32
    %scan3A_2 = arith.addi %scan3A, %scan3A_1 : i32
    %scan3A_3 = arith.constant 1 : i32
    scf.for %scan3A_159 = %scan3A to %scan3A_2 step %scan3A_3  : i32 {
      %mul3A_160 = arith.constant 1 : i32
      %mul3A_161 = arith.muli %scan3A_159, %mul3A_160 : i32
      %add3A_162 = arith.constant 0 : i32
      %add3A_163 = arith.addi %add3A_162, %mul3A_161 : i32
      %broadcast_in_dim3A = arith.constant 0.000000e+00 : f32
      %broadcast_in_dim3A_164 = vector.broadcast %broadcast_in_dim3A : f32 to vector<16xf32>
      %swap3A = arith.index_cast %add3A_163 : i32 to index
      %swap3A_165 = arith.constant 0 : index
      %swap3A_166 = tpu.vector_load %arg10[%swap3A, %swap3A_165] {strides = array<i32>} : memref<632x16xf32, #tpu.memory_space<vmem>>, vector<1x16xf32>,
      %swap3A_167 = vector.shape_cast %swap3A_166 : vector<1x16xf32> to vector<16xf32>
      %swap3A_168 = vector.shape_cast %broadcast_in_dim3A_164 : vector<16xf32> to vector<1x16xf32>
      tpu.vector_store %arg10[%swap3A, %swap3A_165], %swap3A_168 {strides = array<i32>} : memref<632x16xf32, #tpu.memory_space<vmem>>, vector<1x16xf32>,
    }
    %scan3A_4 = arith.constant 632 : i32
    %mul3A_5 = arith.constant 632 : i32
    %mul3A_6 = arith.muli %arg1, %mul3A_5 : i32
    "tpu.region"() ({
      %run_scoped3A = tpu.sem_alloc : memref<!tpu.dma_semaphore, #tpu.memory_space<semaphore_mem>>
      %dma_start3A_159 = arith.constant 0 : i32
      %dma_start3A_160 = tpu.memref_slice %arg11[%mul3A_6, %dma_start3A_159] : memref<10112x16xf32, #tpu.memory_space<vmem_shared>> -> memref<632x16xf32, #tpu.memory_space<vmem_shared>>
      %dma_start3A_161 = arith.constant 0 : i32
      %dma_start3A_162 = tpu.memref_slice %arg11[%mul3A_6, %dma_start3A_161] : memref<10112x16xf32, #tpu.memory_space<vmem_shared>> -> memref<632x16xf32, #tpu.memory_space<vmem_shared>>
      tpu.enqueue_dma source(%arg10 : memref<632x16xf32, #tpu.memory_space<vmem>>) target(%dma_start3A_162 : memref<632x16xf32, #tpu.memory_space<vmem_shared>>) target_semaphore(%run_scoped3A : memref<!tpu.dma_semaphore, #tpu.memory_space<semaphore_mem>>)
      %dma_wait3A_163 = arith.constant 0 : i32
      %dma_wait3A_164 = tpu.memref_slice %arg11[%mul3A_6, %dma_wait3A_163] : memref<10112x16xf32, #tpu.memory_space<vmem_shared>> -> memref<632x16xf32, #tpu.memory_space<vmem_shared>>
      %dma_wait3A_165 = arith.constant 0 : i32
      %dma_wait3A_166 = tpu.memref_slice %arg11[%mul3A_6, %dma_wait3A_165] : memref<10112x16xf32, #tpu.memory_space<vmem_shared>> -> memref<632x16xf32, #tpu.memory_space<vmem_shared>>
      tpu.wait_dma2 semaphore(%run_scoped3A : memref<!tpu.dma_semaphore, #tpu.memory_space<semaphore_mem>>) src(%arg10 : memref<632x16xf32, #tpu.memory_space<vmem>>) dst(%dma_wait3A_166 : memref<632x16xf32, #tpu.memory_space<vmem_shared>>)
      tpu.yield
    }) : () -> ()
    "tpu.region"() ({
      %run_scoped3A = tpu.sem_alloc : memref<!tpu.dma_semaphore, #tpu.memory_space<semaphore_mem>>
      %dma_start3A_159 = arith.constant 0 : i32
      %dma_start3A_160 = arith.constant 0 : i32
      %dma_start3A_161 = tpu.memref_slice %arg3[%add3A, %dma_start3A_159, %dma_start3A_160] : memref<32x80x128xi32, #tpu.memory_space<hbm>> -> memref<1x80x128xi32, #tpu.memory_space<hbm>>
      %dma_start3A_162 = tpu.memref_squeeze %dma_start3A_161 : memref<1x80x128xi32, #tpu.memory_space<hbm>> -> memref<80x128xi32, #tpu.memory_space<hbm>>
      %dma_start3A_163 = arith.constant 0 : i32
      %dma_start3A_164 = arith.constant 0 : i32
      %dma_start3A_165 = tpu.memref_slice %arg3[%add3A, %dma_start3A_163, %dma_start3A_164] : memref<32x80x128xi32, #tpu.memory_space<hbm>> -> memref<1x80x128xi32, #tpu.memory_space<hbm>>
      %dma_start3A_166 = tpu.memref_squeeze %dma_start3A_165 : memref<1x80x128xi32, #tpu.memory_space<hbm>> -> memref<80x128xi32, #tpu.memory_space<hbm>>
      tpu.enqueue_dma source(%dma_start3A_166 : memref<80x128xi32, #tpu.memory_space<hbm>>) target(%arg6 : memref<80x128xi32, #tpu.memory_space<vmem>>) target_semaphore(%run_scoped3A : memref<!tpu.dma_semaphore, #tpu.memory_space<semaphore_mem>>)
      %dma_wait3A_167 = arith.constant 0 : i32
      %dma_wait3A_168 = arith.constant 0 : i32
      %dma_wait3A_169 = tpu.memref_slice %arg3[%add3A, %dma_wait3A_167, %dma_wait3A_168] : memref<32x80x128xi32, #tpu.memory_space<hbm>> -> memref<1x80x128xi32, #tpu.memory_space<hbm>>
      %dma_wait3A_170 = tpu.memref_squeeze %dma_wait3A_169 : memref<1x80x128xi32, #tpu.memory_space<hbm>> -> memref<80x128xi32, #tpu.memory_space<hbm>>
      %dma_wait3A_171 = arith.constant 0 : i32
      %dma_wait3A_172 = arith.constant 0 : i32
      %dma_wait3A_173 = tpu.memref_slice %arg3[%add3A, %dma_wait3A_171, %dma_wait3A_172] : memref<32x80x128xi32, #tpu.memory_space<hbm>> -> memref<1x80x128xi32, #tpu.memory_space<hbm>>
      %dma_wait3A_174 = tpu.memref_squeeze %dma_wait3A_173 : memref<1x80x128xi32, #tpu.memory_space<hbm>> -> memref<80x128xi32, #tpu.memory_space<hbm>>
      tpu.wait_dma2 semaphore(%run_scoped3A : memref<!tpu.dma_semaphore, #tpu.memory_space<semaphore_mem>>) src(%dma_wait3A_174 : memref<80x128xi32, #tpu.memory_space<hbm>>) dst(%arg6 : memref<80x128xi32, #tpu.memory_space<vmem>>)
      tpu.yield
    }) : () -> ()
    "tpu.region"() ({
      %run_scoped3A = tpu.sem_alloc : memref<!tpu.dma_semaphore, #tpu.memory_space<semaphore_mem>>
      %dma_start3A_159 = arith.constant 0 : i32
      %dma_start3A_160 = arith.constant 0 : i32
      %dma_start3A_161 = tpu.memref_slice %arg4[%add3A, %dma_start3A_159, %dma_start3A_160] : memref<32x80x128xi32, #tpu.memory_space<hbm>> -> memref<1x80x128xi32, #tpu.memory_space<hbm>>
      %dma_start3A_162 = tpu.memref_squeeze %dma_start3A_161 : memref<1x80x128xi32, #tpu.memory_space<hbm>> -> memref<80x128xi32, #tpu.memory_space<hbm>>
      %dma_start3A_163 = arith.constant 0 : i32
      %dma_start3A_164 = arith.constant 0 : i32
      %dma_start3A_165 = tpu.memref_slice %arg4[%add3A, %dma_start3A_163, %dma_start3A_164] : memref<32x80x128xi32, #tpu.memory_space<hbm>> -> memref<1x80x128xi32, #tpu.memory_space<hbm>>
      %dma_start3A_166 = tpu.memref_squeeze %dma_start3A_165 : memref<1x80x128xi32, #tpu.memory_space<hbm>> -> memref<80x128xi32, #tpu.memory_space<hbm>>
      tpu.enqueue_dma source(%dma_start3A_166 : memref<80x128xi32, #tpu.memory_space<hbm>>) target(%arg7 : memref<80x128xi32, #tpu.memory_space<vmem>>) target_semaphore(%run_scoped3A : memref<!tpu.dma_semaphore, #tpu.memory_space<semaphore_mem>>)
      %dma_wait3A_167 = arith.constant 0 : i32
      %dma_wait3A_168 = arith.constant 0 : i32
      %dma_wait3A_169 = tpu.memref_slice %arg4[%add3A, %dma_wait3A_167, %dma_wait3A_168] : memref<32x80x128xi32, #tpu.memory_space<hbm>> -> memref<1x80x128xi32, #tpu.memory_space<hbm>>
      %dma_wait3A_170 = tpu.memref_squeeze %dma_wait3A_169 : memref<1x80x128xi32, #tpu.memory_space<hbm>> -> memref<80x128xi32, #tpu.memory_space<hbm>>
      %dma_wait3A_171 = arith.constant 0 : i32
      %dma_wait3A_172 = arith.constant 0 : i32
      %dma_wait3A_173 = tpu.memref_slice %arg4[%add3A, %dma_wait3A_171, %dma_wait3A_172] : memref<32x80x128xi32, #tpu.memory_space<hbm>> -> memref<1x80x128xi32, #tpu.memory_space<hbm>>
      %dma_wait3A_174 = tpu.memref_squeeze %dma_wait3A_173 : memref<1x80x128xi32, #tpu.memory_space<hbm>> -> memref<80x128xi32, #tpu.memory_space<hbm>>
      tpu.wait_dma2 semaphore(%run_scoped3A : memref<!tpu.dma_semaphore, #tpu.memory_space<semaphore_mem>>) src(%dma_wait3A_174 : memref<80x128xi32, #tpu.memory_space<hbm>>) dst(%arg7 : memref<80x128xi32, #tpu.memory_space<vmem>>)
      tpu.yield
    }) : () -> ()
    %barrier3A = arith.constant 0 : index
    tpu.barrier barrier_id(%barrier3A)
    %dma_start3A = arith.constant 0 : i32
    %dma_start3A_7 = arith.constant 0 : i32
    %dma_start3A_8 = arith.constant 0 : i32
    %dma_start3A_9 = arith.constant 0 : i32
    %dma_start3A_10 = tpu.memref_slice %arg8[%dma_start3A_7, %dma_start3A_8, %dma_start3A_9] : memref<4x128x16xf32, #tpu.memory_space<vmem>> -> memref<1x128x16xf32, #tpu.memory_space<vmem>>
    %dma_start3A_11 = tpu.memref_squeeze %dma_start3A_10 : memref<1x128x16xf32, #tpu.memory_space<vmem>> -> memref<128x16xf32, #tpu.memory_space<vmem>>
    %dma_start3A_12 = arith.constant 0 : i32
    %dma_start3A_13 = tpu.memref_slice %arg6[%dma_start3A, %dma_start3A_12] : memref<80x128xi32, #tpu.memory_space<vmem>> -> memref<1x128xi32, #tpu.memory_space<vmem>>
    %dma_start3A_14 = tpu.memref_squeeze %dma_start3A_13 : memref<1x128xi32, #tpu.memory_space<vmem>> -> memref<128xi32, #tpu.memory_space<vmem>>
    %dma_start3A_15 = arith.constant 0 : i32
    %dma_start3A_16 = arith.constant 0 : i32
    %dma_start3A_17 = tpu.memref_slice %arg2[%dma_start3A_15, %dma_start3A_16] : memref<10112x16xf32, #tpu.memory_space<hbm>> -> memref<10112x16xf32, #tpu.memory_space<hbm>>
    tpu.enqueue_indirect_dma source(%dma_start3A_17 : memref<10112x16xf32, #tpu.memory_space<hbm>>) target(%dma_start3A_11 : memref<128x16xf32, #tpu.memory_space<vmem>>) offsets(%dma_start3A_14 : memref<128xi32, #tpu.memory_space<vmem>>) semaphore(%arg12 : memref<!tpu.dma_semaphore, #tpu.memory_space<semaphore_mem>>)
    %dma_start3A_18 = arith.constant 1 : i32
    %dma_start3A_19 = arith.constant 1 : i32
    %dma_start3A_20 = arith.constant 0 : i32
    %dma_start3A_21 = arith.constant 0 : i32
    %dma_start3A_22 = tpu.memref_slice %arg8[%dma_start3A_19, %dma_start3A_20, %dma_start3A_21] : memref<4x128x16xf32, #tpu.memory_space<vmem>> -> memref<1x128x16xf32, #tpu.memory_space<vmem>>
    %dma_start3A_23 = tpu.memref_squeeze %dma_start3A_22 : memref<1x128x16xf32, #tpu.memory_space<vmem>> -> memref<128x16xf32, #tpu.memory_space<vmem>>
    %dma_start3A_24 = arith.constant 0 : i32
    %dma_start3A_25 = tpu.memref_slice %arg6[%dma_start3A_18, %dma_start3A_24] : memref<80x128xi32, #tpu.memory_space<vmem>> -> memref<1x128xi32, #tpu.memory_space<vmem>>
    %dma_start3A_26 = tpu.memref_squeeze %dma_start3A_25 : memref<1x128xi32, #tpu.memory_space<vmem>> -> memref<128xi32, #tpu.memory_space<vmem>>
    %dma_start3A_27 = arith.constant 0 : i32
    %dma_start3A_28 = arith.constant 0 : i32
    %dma_start3A_29 = tpu.memref_slice %arg2[%dma_start3A_27, %dma_start3A_28] : memref<10112x16xf32, #tpu.memory_space<hbm>> -> memref<10112x16xf32, #tpu.memory_space<hbm>>
    tpu.enqueue_indirect_dma source(%dma_start3A_29 : memref<10112x16xf32, #tpu.memory_space<hbm>>) target(%dma_start3A_23 : memref<128x16xf32, #tpu.memory_space<vmem>>) offsets(%dma_start3A_26 : memref<128xi32, #tpu.memory_space<vmem>>) semaphore(%arg12 : memref<!tpu.dma_semaphore, #tpu.memory_space<semaphore_mem>>)
    %dma_start3A_30 = arith.constant 2 : i32
    %dma_start3A_31 = arith.constant 2 : i32
    %dma_start3A_32 = arith.constant 0 : i32
    %dma_start3A_33 = arith.constant 0 : i32
    %dma_start3A_34 = tpu.memref_slice %arg8[%dma_start3A_31, %dma_start3A_32, %dma_start3A_33] : memref<4x128x16xf32, #tpu.memory_space<vmem>> -> memref<1x128x16xf32, #tpu.memory_space<vmem>>
    %dma_start3A_35 = tpu.memref_squeeze %dma_start3A_34 : memref<1x128x16xf32, #tpu.memory_space<vmem>> -> memref<128x16xf32, #tpu.memory_space<vmem>>
    %dma_start3A_36 = arith.constant 0 : i32
    %dma_start3A_37 = tpu.memref_slice %arg6[%dma_start3A_30, %dma_start3A_36] : memref<80x128xi32, #tpu.memory_space<vmem>> -> memref<1x128xi32, #tpu.memory_space<vmem>>
    %dma_start3A_38 = tpu.memref_squeeze %dma_start3A_37 : memref<1x128xi32, #tpu.memory_space<vmem>> -> memref<128xi32, #tpu.memory_space<vmem>>
    %dma_start3A_39 = arith.constant 0 : i32
    %dma_start3A_40 = arith.constant 0 : i32
    %dma_start3A_41 = tpu.memref_slice %arg2[%dma_start3A_39, %dma_start3A_40] : memref<10112x16xf32, #tpu.memory_space<hbm>> -> memref<10112x16xf32, #tpu.memory_space<hbm>>
    tpu.enqueue_indirect_dma source(%dma_start3A_41 : memref<10112x16xf32, #tpu.memory_space<hbm>>) target(%dma_start3A_35 : memref<128x16xf32, #tpu.memory_space<vmem>>) offsets(%dma_start3A_38 : memref<128xi32, #tpu.memory_space<vmem>>) semaphore(%arg12 : memref<!tpu.dma_semaphore, #tpu.memory_space<semaphore_mem>>)
    %dma_start3A_42 = arith.constant 3 : i32
    %dma_start3A_43 = arith.constant 3 : i32
    %dma_start3A_44 = arith.constant 0 : i32
    %dma_start3A_45 = arith.constant 0 : i32
    %dma_start3A_46 = tpu.memref_slice %arg8[%dma_start3A_43, %dma_start3A_44, %dma_start3A_45] : memref<4x128x16xf32, #tpu.memory_space<vmem>> -> memref<1x128x16xf32, #tpu.memory_space<vmem>>
    %dma_start3A_47 = tpu.memref_squeeze %dma_start3A_46 : memref<1x128x16xf32, #tpu.memory_space<vmem>> -> memref<128x16xf32, #tpu.memory_space<vmem>>
    %dma_start3A_48 = arith.constant 0 : i32
    %dma_start3A_49 = tpu.memref_slice %arg6[%dma_start3A_42, %dma_start3A_48] : memref<80x128xi32, #tpu.memory_space<vmem>> -> memref<1x128xi32, #tpu.memory_space<vmem>>
    %dma_start3A_50 = tpu.memref_squeeze %dma_start3A_49 : memref<1x128xi32, #tpu.memory_space<vmem>> -> memref<128xi32, #tpu.memory_space<vmem>>
    %dma_start3A_51 = arith.constant 0 : i32
    %dma_start3A_52 = arith.constant 0 : i32
    %dma_start3A_53 = tpu.memref_slice %arg2[%dma_start3A_51, %dma_start3A_52] : memref<10112x16xf32, #tpu.memory_space<hbm>> -> memref<10112x16xf32, #tpu.memory_space<hbm>>
    tpu.enqueue_indirect_dma source(%dma_start3A_53 : memref<10112x16xf32, #tpu.memory_space<hbm>>) target(%dma_start3A_47 : memref<128x16xf32, #tpu.memory_space<vmem>>) offsets(%dma_start3A_50 : memref<128xi32, #tpu.memory_space<vmem>>) semaphore(%arg12 : memref<!tpu.dma_semaphore, #tpu.memory_space<semaphore_mem>>)
    %scan3A_54 = arith.constant 0 : i32
    %scan3A_55 = arith.constant 10 : i32
    %scan3A_56 = arith.addi %scan3A_54, %scan3A_55 : i32
    %scan3A_57 = arith.constant 1 : i32
    scf.for %scan3A_159 = %scan3A_54 to %scan3A_56 step %scan3A_57  : i32 {
      %mul3A_160 = arith.constant 1 : i32
      %mul3A_161 = arith.muli %scan3A_159, %mul3A_160 : i32
      %add3A_162 = arith.constant 0 : i32
      %add3A_163 = arith.addi %add3A_162, %mul3A_161 : i32
      %mul3A_164 = arith.constant 2 : i32
      %mul3A_165 = arith.muli %add3A_163, %mul3A_164 : i32
      %mul3A_166 = arith.constant 4 : i32
      %mul3A_167 = arith.muli %mul3A_165, %mul3A_166 : i32
      %add3A_168 = arith.constant 0 : i32
      %add3A_169 = arith.addi %mul3A_167, %add3A_168 : i32
      %dma_wait3A_170 = arith.constant 0 : i32
      %dma_wait3A_171 = arith.constant 0 : i32
      %dma_wait3A_172 = arith.constant 0 : i32
      %dma_wait3A_173 = tpu.memref_slice %arg8[%dma_wait3A_170, %dma_wait3A_171, %dma_wait3A_172] : memref<4x128x16xf32, #tpu.memory_space<vmem>> -> memref<1x128x16xf32, #tpu.memory_space<vmem>>
      %dma_wait3A_174 = tpu.memref_squeeze %dma_wait3A_173 : memref<1x128x16xf32, #tpu.memory_space<vmem>> -> memref<128x16xf32, #tpu.memory_space<vmem>>
      %dma_wait3A_175 = arith.constant 0 : i32
      %dma_wait3A_176 = tpu.memref_slice %arg6[%add3A_169, %dma_wait3A_175] : memref<80x128xi32, #tpu.memory_space<vmem>> -> memref<1x128xi32, #tpu.memory_space<vmem>>
      %dma_wait3A_177 = tpu.memref_squeeze %dma_wait3A_176 : memref<1x128xi32, #tpu.memory_space<vmem>> -> memref<128xi32, #tpu.memory_space<vmem>>
      %dma_wait3A_178 = arith.constant 0 : i32
      %dma_wait3A_179 = arith.constant 0 : i32
      %dma_wait3A_180 = tpu.memref_slice %arg2[%dma_wait3A_178, %dma_wait3A_179] : memref<10112x16xf32, #tpu.memory_space<hbm>> -> memref<10112x16xf32, #tpu.memory_space<hbm>>
      tpu.wait_indirect_dma semaphore(%arg12 : memref<!tpu.dma_semaphore, #tpu.memory_space<semaphore_mem>>) src(%dma_wait3A_180 : memref<10112x16xf32, #tpu.memory_space<hbm>>) dst(%dma_wait3A_174 : memref<128x16xf32, #tpu.memory_space<vmem>>)
      %add3A_181 = arith.constant 1 : i32
      %add3A_182 = arith.addi %mul3A_167, %add3A_181 : i32
      %dma_wait3A_183 = arith.constant 1 : i32
      %dma_wait3A_184 = arith.constant 0 : i32
      %dma_wait3A_185 = arith.constant 0 : i32
      %dma_wait3A_186 = tpu.memref_slice %arg8[%dma_wait3A_183, %dma_wait3A_184, %dma_wait3A_185] : memref<4x128x16xf32, #tpu.memory_space<vmem>> -> memref<1x128x16xf32, #tpu.memory_space<vmem>>
      %dma_wait3A_187 = tpu.memref_squeeze %dma_wait3A_186 : memref<1x128x16xf32, #tpu.memory_space<vmem>> -> memref<128x16xf32, #tpu.memory_space<vmem>>
      %dma_wait3A_188 = arith.constant 0 : i32
      %dma_wait3A_189 = tpu.memref_slice %arg6[%add3A_182, %dma_wait3A_188] : memref<80x128xi32, #tpu.memory_space<vmem>> -> memref<1x128xi32, #tpu.memory_space<vmem>>
      %dma_wait3A_190 = tpu.memref_squeeze %dma_wait3A_189 : memref<1x128xi32, #tpu.memory_space<vmem>> -> memref<128xi32, #tpu.memory_space<vmem>>
      %dma_wait3A_191 = arith.constant 0 : i32
      %dma_wait3A_192 = arith.constant 0 : i32
      %dma_wait3A_193 = tpu.memref_slice %arg2[%dma_wait3A_191, %dma_wait3A_192] : memref<10112x16xf32, #tpu.memory_space<hbm>> -> memref<10112x16xf32, #tpu.memory_space<hbm>>
      tpu.wait_indirect_dma semaphore(%arg12 : memref<!tpu.dma_semaphore, #tpu.memory_space<semaphore_mem>>) src(%dma_wait3A_193 : memref<10112x16xf32, #tpu.memory_space<hbm>>) dst(%dma_wait3A_187 : memref<128x16xf32, #tpu.memory_space<vmem>>)
      %add3A_194 = arith.constant 2 : i32
      %add3A_195 = arith.addi %mul3A_167, %add3A_194 : i32
      %dma_wait3A_196 = arith.constant 2 : i32
      %dma_wait3A_197 = arith.constant 0 : i32
      %dma_wait3A_198 = arith.constant 0 : i32
      %dma_wait3A_199 = tpu.memref_slice %arg8[%dma_wait3A_196, %dma_wait3A_197, %dma_wait3A_198] : memref<4x128x16xf32, #tpu.memory_space<vmem>> -> memref<1x128x16xf32, #tpu.memory_space<vmem>>
      %dma_wait3A_200 = tpu.memref_squeeze %dma_wait3A_199 : memref<1x128x16xf32, #tpu.memory_space<vmem>> -> memref<128x16xf32, #tpu.memory_space<vmem>>
      %dma_wait3A_201 = arith.constant 0 : i32
      %dma_wait3A_202 = tpu.memref_slice %arg6[%add3A_195, %dma_wait3A_201] : memref<80x128xi32, #tpu.memory_space<vmem>> -> memref<1x128xi32, #tpu.memory_space<vmem>>
      %dma_wait3A_203 = tpu.memref_squeeze %dma_wait3A_202 : memref<1x128xi32, #tpu.memory_space<vmem>> -> memref<128xi32, #tpu.memory_space<vmem>>
      %dma_wait3A_204 = arith.constant 0 : i32
      %dma_wait3A_205 = arith.constant 0 : i32
      %dma_wait3A_206 = tpu.memref_slice %arg2[%dma_wait3A_204, %dma_wait3A_205] : memref<10112x16xf32, #tpu.memory_space<hbm>> -> memref<10112x16xf32, #tpu.memory_space<hbm>>
      tpu.wait_indirect_dma semaphore(%arg12 : memref<!tpu.dma_semaphore, #tpu.memory_space<semaphore_mem>>) src(%dma_wait3A_206 : memref<10112x16xf32, #tpu.memory_space<hbm>>) dst(%dma_wait3A_200 : memref<128x16xf32, #tpu.memory_space<vmem>>)
      %add3A_207 = arith.constant 3 : i32
      %add3A_208 = arith.addi %mul3A_167, %add3A_207 : i32
      %dma_wait3A_209 = arith.constant 3 : i32
      %dma_wait3A_210 = arith.constant 0 : i32
      %dma_wait3A_211 = arith.constant 0 : i32
      %dma_wait3A_212 = tpu.memref_slice %arg8[%dma_wait3A_209, %dma_wait3A_210, %dma_wait3A_211] : memref<4x128x16xf32, #tpu.memory_space<vmem>> -> memref<1x128x16xf32, #tpu.memory_space<vmem>>
      %dma_wait3A_213 = tpu.memref_squeeze %dma_wait3A_212 : memref<1x128x16xf32, #tpu.memory_space<vmem>> -> memref<128x16xf32, #tpu.memory_space<vmem>>
      %dma_wait3A_214 = arith.constant 0 : i32
      %dma_wait3A_215 = tpu.memref_slice %arg6[%add3A_208, %dma_wait3A_214] : memref<80x128xi32, #tpu.memory_space<vmem>> -> memref<1x128xi32, #tpu.memory_space<vmem>>
      %dma_wait3A_216 = tpu.memref_squeeze %dma_wait3A_215 : memref<1x128xi32, #tpu.memory_space<vmem>> -> memref<128xi32, #tpu.memory_space<vmem>>
      %dma_wait3A_217 = arith.constant 0 : i32
      %dma_wait3A_218 = arith.constant 0 : i32
      %dma_wait3A_219 = tpu.memref_slice %arg2[%dma_wait3A_217, %dma_wait3A_218] : memref<10112x16xf32, #tpu.memory_space<hbm>> -> memref<10112x16xf32, #tpu.memory_space<hbm>>
      tpu.wait_indirect_dma semaphore(%arg12 : memref<!tpu.dma_semaphore, #tpu.memory_space<semaphore_mem>>) src(%dma_wait3A_219 : memref<10112x16xf32, #tpu.memory_space<hbm>>) dst(%dma_wait3A_213 : memref<128x16xf32, #tpu.memory_space<vmem>>)
      %add3A_220 = arith.constant 0 : i32
      %add3A_221 = arith.addi %mul3A_167, %add3A_220 : i32
      %dma_start3A_222 = arith.constant 0 : i32
      %dma_start3A_223 = arith.constant 0 : i32
      %dma_start3A_224 = arith.constant 0 : i32
      %dma_start3A_225 = tpu.memref_slice %arg8[%dma_start3A_222, %dma_start3A_223, %dma_start3A_224] : memref<4x128x16xf32, #tpu.memory_space<vmem>> -> memref<1x128x16xf32, #tpu.memory_space<vmem>>
      %dma_start3A_226 = tpu.memref_squeeze %dma_start3A_225 : memref<1x128x16xf32, #tpu.memory_space<vmem>> -> memref<128x16xf32, #tpu.memory_space<vmem>>
      %dma_start3A_227 = arith.constant 0 : i32
      %dma_start3A_228 = tpu.memref_slice %arg7[%add3A_221, %dma_start3A_227] : memref<80x128xi32, #tpu.memory_space<vmem>> -> memref<1x128xi32, #tpu.memory_space<vmem>>
      %dma_start3A_229 = tpu.memref_squeeze %dma_start3A_228 : memref<1x128xi32, #tpu.memory_space<vmem>> -> memref<128xi32, #tpu.memory_space<vmem>>
      %dma_start3A_230 = arith.constant 0 : i32
      %dma_start3A_231 = arith.constant 0 : i32
      %dma_start3A_232 = tpu.memref_slice %arg11[%dma_start3A_230, %dma_start3A_231] : memref<10112x16xf32, #tpu.memory_space<vmem_shared>> -> memref<10112x16xf32, #tpu.memory_space<vmem_shared>>
      tpu.enqueue_indirect_dma source(%dma_start3A_226 : memref<128x16xf32, #tpu.memory_space<vmem>>) target(%dma_start3A_232 : memref<10112x16xf32, #tpu.memory_space<vmem_shared>>) offsets(%dma_start3A_229 : memref<128xi32, #tpu.memory_space<vmem>>) semaphore(%arg14 : memref<!tpu.dma_semaphore, #tpu.memory_space<semaphore_mem>>) {add = true}
      %add3A_233 = arith.constant 1 : i32
      %add3A_234 = arith.addi %mul3A_167, %add3A_233 : i32
      %dma_start3A_235 = arith.constant 1 : i32
      %dma_start3A_236 = arith.constant 0 : i32
      %dma_start3A_237 = arith.constant 0 : i32
      %dma_start3A_238 = tpu.memref_slice %arg8[%dma_start3A_235, %dma_start3A_236, %dma_start3A_237] : memref<4x128x16xf32, #tpu.memory_space<vmem>> -> memref<1x128x16xf32, #tpu.memory_space<vmem>>
      %dma_start3A_239 = tpu.memref_squeeze %dma_start3A_238 : memref<1x128x16xf32, #tpu.memory_space<vmem>> -> memref<128x16xf32, #tpu.memory_space<vmem>>
      %dma_start3A_240 = arith.constant 0 : i32
      %dma_start3A_241 = tpu.memref_slice %arg7[%add3A_234, %dma_start3A_240] : memref<80x128xi32, #tpu.memory_space<vmem>> -> memref<1x128xi32, #tpu.memory_space<vmem>>
      %dma_start3A_242 = tpu.memref_squeeze %dma_start3A_241 : memref<1x128xi32, #tpu.memory_space<vmem>> -> memref<128xi32, #tpu.memory_space<vmem>>
      %dma_start3A_243 = arith.constant 0 : i32
      %dma_start3A_244 = arith.constant 0 : i32
      %dma_start3A_245 = tpu.memref_slice %arg11[%dma_start3A_243, %dma_start3A_244] : memref<10112x16xf32, #tpu.memory_space<vmem_shared>> -> memref<10112x16xf32, #tpu.memory_space<vmem_shared>>
      tpu.enqueue_indirect_dma source(%dma_start3A_239 : memref<128x16xf32, #tpu.memory_space<vmem>>) target(%dma_start3A_245 : memref<10112x16xf32, #tpu.memory_space<vmem_shared>>) offsets(%dma_start3A_242 : memref<128xi32, #tpu.memory_space<vmem>>) semaphore(%arg14 : memref<!tpu.dma_semaphore, #tpu.memory_space<semaphore_mem>>) {add = true}
      %add3A_246 = arith.constant 2 : i32
      %add3A_247 = arith.addi %mul3A_167, %add3A_246 : i32
      %dma_start3A_248 = arith.constant 2 : i32
      %dma_start3A_249 = arith.constant 0 : i32
      %dma_start3A_250 = arith.constant 0 : i32
      %dma_start3A_251 = tpu.memref_slice %arg8[%dma_start3A_248, %dma_start3A_249, %dma_start3A_250] : memref<4x128x16xf32, #tpu.memory_space<vmem>> -> memref<1x128x16xf32, #tpu.memory_space<vmem>>
      %dma_start3A_252 = tpu.memref_squeeze %dma_start3A_251 : memref<1x128x16xf32, #tpu.memory_space<vmem>> -> memref<128x16xf32, #tpu.memory_space<vmem>>
      %dma_start3A_253 = arith.constant 0 : i32
      %dma_start3A_254 = tpu.memref_slice %arg7[%add3A_247, %dma_start3A_253] : memref<80x128xi32, #tpu.memory_space<vmem>> -> memref<1x128xi32, #tpu.memory_space<vmem>>
      %dma_start3A_255 = tpu.memref_squeeze %dma_start3A_254 : memref<1x128xi32, #tpu.memory_space<vmem>> -> memref<128xi32, #tpu.memory_space<vmem>>
      %dma_start3A_256 = arith.constant 0 : i32
      %dma_start3A_257 = arith.constant 0 : i32
      %dma_start3A_258 = tpu.memref_slice %arg11[%dma_start3A_256, %dma_start3A_257] : memref<10112x16xf32, #tpu.memory_space<vmem_shared>> -> memref<10112x16xf32, #tpu.memory_space<vmem_shared>>
      tpu.enqueue_indirect_dma source(%dma_start3A_252 : memref<128x16xf32, #tpu.memory_space<vmem>>) target(%dma_start3A_258 : memref<10112x16xf32, #tpu.memory_space<vmem_shared>>) offsets(%dma_start3A_255 : memref<128xi32, #tpu.memory_space<vmem>>) semaphore(%arg14 : memref<!tpu.dma_semaphore, #tpu.memory_space<semaphore_mem>>) {add = true}
      %add3A_259 = arith.constant 3 : i32
      %add3A_260 = arith.addi %mul3A_167, %add3A_259 : i32
      %dma_start3A_261 = arith.constant 3 : i32
      %dma_start3A_262 = arith.constant 0 : i32
      %dma_start3A_263 = arith.constant 0 : i32
      %dma_start3A_264 = tpu.memref_slice %arg8[%dma_start3A_261, %dma_start3A_262, %dma_start3A_263] : memref<4x128x16xf32, #tpu.memory_space<vmem>> -> memref<1x128x16xf32, #tpu.memory_space<vmem>>
      %dma_start3A_265 = tpu.memref_squeeze %dma_start3A_264 : memref<1x128x16xf32, #tpu.memory_space<vmem>> -> memref<128x16xf32, #tpu.memory_space<vmem>>
      %dma_start3A_266 = arith.constant 0 : i32
      %dma_start3A_267 = tpu.memref_slice %arg7[%add3A_260, %dma_start3A_266] : memref<80x128xi32, #tpu.memory_space<vmem>> -> memref<1x128xi32, #tpu.memory_space<vmem>>
      %dma_start3A_268 = tpu.memref_squeeze %dma_start3A_267 : memref<1x128xi32, #tpu.memory_space<vmem>> -> memref<128xi32, #tpu.memory_space<vmem>>
      %dma_start3A_269 = arith.constant 0 : i32
      %dma_start3A_270 = arith.constant 0 : i32
      %dma_start3A_271 = tpu.memref_slice %arg11[%dma_start3A_269, %dma_start3A_270] : memref<10112x16xf32, #tpu.memory_space<vmem_shared>> -> memref<10112x16xf32, #tpu.memory_space<vmem_shared>>
      tpu.enqueue_indirect_dma source(%dma_start3A_265 : memref<128x16xf32, #tpu.memory_space<vmem>>) target(%dma_start3A_271 : memref<10112x16xf32, #tpu.memory_space<vmem_shared>>) offsets(%dma_start3A_268 : memref<128xi32, #tpu.memory_space<vmem>>) semaphore(%arg14 : memref<!tpu.dma_semaphore, #tpu.memory_space<semaphore_mem>>) {add = true}
      %gt3A = arith.constant 0 : i32
      %gt3A_272 = arith.cmpi sgt, %add3A_163, %gt3A : i32
      %convert_element_type3A = arith.extui %gt3A_272 : i1 to i32
      %cond3A = arith.constant 0 : i32
      %cond3A_273 = arith.cmpi ne, %convert_element_type3A, %cond3A : i32
      scf.if %cond3A_273 {
        %sub3A = arith.constant 4 : i32
        %sub3A_460 = arith.subi %mul3A_167, %sub3A : i32
        %add3A_461 = arith.constant 0 : i32
        %add3A_462 = arith.addi %sub3A_460, %add3A_461 : i32
        %dma_wait3A_463 = arith.constant 0 : i32
        %dma_wait3A_464 = arith.constant 0 : i32
        %dma_wait3A_465 = arith.constant 0 : i32
        %dma_wait3A_466 = tpu.memref_slice %arg9[%dma_wait3A_463, %dma_wait3A_464, %dma_wait3A_465] : memref<4x128x16xf32, #tpu.memory_space<vmem>> -> memref<1x128x16xf32, #tpu.memory_space<vmem>>
        %dma_wait3A_467 = tpu.memref_squeeze %dma_wait3A_466 : memref<1x128x16xf32, #tpu.memory_space<vmem>> -> memref<128x16xf32, #tpu.memory_space<vmem>>
        %dma_wait3A_468 = arith.constant 0 : i32
        %dma_wait3A_469 = tpu.memref_slice %arg7[%add3A_462, %dma_wait3A_468] : memref<80x128xi32, #tpu.memory_space<vmem>> -> memref<1x128xi32, #tpu.memory_space<vmem>>
        %dma_wait3A_470 = tpu.memref_squeeze %dma_wait3A_469 : memref<1x128xi32, #tpu.memory_space<vmem>> -> memref<128xi32, #tpu.memory_space<vmem>>
        %dma_wait3A_471 = arith.constant 0 : i32
        %dma_wait3A_472 = arith.constant 0 : i32
        %dma_wait3A_473 = tpu.memref_slice %arg11[%dma_wait3A_471, %dma_wait3A_472] : memref<10112x16xf32, #tpu.memory_space<vmem_shared>> -> memref<10112x16xf32, #tpu.memory_space<vmem_shared>>
        tpu.wait_indirect_dma semaphore(%arg15 : memref<!tpu.dma_semaphore, #tpu.memory_space<semaphore_mem>>) src(%dma_wait3A_467 : memref<128x16xf32, #tpu.memory_space<vmem>>) dst(%dma_wait3A_473 : memref<10112x16xf32, #tpu.memory_space<vmem_shared>>)
        %sub3A_474 = arith.constant 4 : i32
        %sub3A_475 = arith.subi %mul3A_167, %sub3A_474 : i32
        %add3A_476 = arith.constant 1 : i32
        %add3A_477 = arith.addi %sub3A_475, %add3A_476 : i32
        %dma_wait3A_478 = arith.constant 1 : i32
        %dma_wait3A_479 = arith.constant 0 : i32
        %dma_wait3A_480 = arith.constant 0 : i32
        %dma_wait3A_481 = tpu.memref_slice %arg9[%dma_wait3A_478, %dma_wait3A_479, %dma_wait3A_480] : memref<4x128x16xf32, #tpu.memory_space<vmem>> -> memref<1x128x16xf32, #tpu.memory_space<vmem>>
        %dma_wait3A_482 = tpu.memref_squeeze %dma_wait3A_481 : memref<1x128x16xf32, #tpu.memory_space<vmem>> -> memref<128x16xf32, #tpu.memory_space<vmem>>
        %dma_wait3A_483 = arith.constant 0 : i32
        %dma_wait3A_484 = tpu.memref_slice %arg7[%add3A_477, %dma_wait3A_483] : memref<80x128xi32, #tpu.memory_space<vmem>> -> memref<1x128xi32, #tpu.memory_space<vmem>>
        %dma_wait3A_485 = tpu.memref_squeeze %dma_wait3A_484 : memref<1x128xi32, #tpu.memory_space<vmem>> -> memref<128xi32, #tpu.memory_space<vmem>>
        %dma_wait3A_486 = arith.constant 0 : i32
        %dma_wait3A_487 = arith.constant 0 : i32
        %dma_wait3A_488 = tpu.memref_slice %arg11[%dma_wait3A_486, %dma_wait3A_487] : memref<10112x16xf32, #tpu.memory_space<vmem_shared>> -> memref<10112x16xf32, #tpu.memory_space<vmem_shared>>
        tpu.wait_indirect_dma semaphore(%arg15 : memref<!tpu.dma_semaphore, #tpu.memory_space<semaphore_mem>>) src(%dma_wait3A_482 : memref<128x16xf32, #tpu.memory_space<vmem>>) dst(%dma_wait3A_488 : memref<10112x16xf32, #tpu.memory_space<vmem_shared>>)
        %sub3A_489 = arith.constant 4 : i32
        %sub3A_490 = arith.subi %mul3A_167, %sub3A_489 : i32
        %add3A_491 = arith.constant 2 : i32
        %add3A_492 = arith.addi %sub3A_490, %add3A_491 : i32
        %dma_wait3A_493 = arith.constant 2 : i32
        %dma_wait3A_494 = arith.constant 0 : i32
        %dma_wait3A_495 = arith.constant 0 : i32
        %dma_wait3A_496 = tpu.memref_slice %arg9[%dma_wait3A_493, %dma_wait3A_494, %dma_wait3A_495] : memref<4x128x16xf32, #tpu.memory_space<vmem>> -> memref<1x128x16xf32, #tpu.memory_space<vmem>>
        %dma_wait3A_497 = tpu.memref_squeeze %dma_wait3A_496 : memref<1x128x16xf32, #tpu.memory_space<vmem>> -> memref<128x16xf32, #tpu.memory_space<vmem>>
        %dma_wait3A_498 = arith.constant 0 : i32
        %dma_wait3A_499 = tpu.memref_slice %arg7[%add3A_492, %dma_wait3A_498] : memref<80x128xi32, #tpu.memory_space<vmem>> -> memref<1x128xi32, #tpu.memory_space<vmem>>
        %dma_wait3A_500 = tpu.memref_squeeze %dma_wait3A_499 : memref<1x128xi32, #tpu.memory_space<vmem>> -> memref<128xi32, #tpu.memory_space<vmem>>
        %dma_wait3A_501 = arith.constant 0 : i32
        %dma_wait3A_502 = arith.constant 0 : i32
        %dma_wait3A_503 = tpu.memref_slice %arg11[%dma_wait3A_501, %dma_wait3A_502] : memref<10112x16xf32, #tpu.memory_space<vmem_shared>> -> memref<10112x16xf32, #tpu.memory_space<vmem_shared>>
        tpu.wait_indirect_dma semaphore(%arg15 : memref<!tpu.dma_semaphore, #tpu.memory_space<semaphore_mem>>) src(%dma_wait3A_497 : memref<128x16xf32, #tpu.memory_space<vmem>>) dst(%dma_wait3A_503 : memref<10112x16xf32, #tpu.memory_space<vmem_shared>>)
        %sub3A_504 = arith.constant 4 : i32
        %sub3A_505 = arith.subi %mul3A_167, %sub3A_504 : i32
        %add3A_506 = arith.constant 3 : i32
        %add3A_507 = arith.addi %sub3A_505, %add3A_506 : i32
        %dma_wait3A_508 = arith.constant 3 : i32
        %dma_wait3A_509 = arith.constant 0 : i32
        %dma_wait3A_510 = arith.constant 0 : i32
        %dma_wait3A_511 = tpu.memref_slice %arg9[%dma_wait3A_508, %dma_wait3A_509, %dma_wait3A_510] : memref<4x128x16xf32, #tpu.memory_space<vmem>> -> memref<1x128x16xf32, #tpu.memory_space<vmem>>
        %dma_wait3A_512 = tpu.memref_squeeze %dma_wait3A_511 : memref<1x128x16xf32, #tpu.memory_space<vmem>> -> memref<128x16xf32, #tpu.memory_space<vmem>>
        %dma_wait3A_513 = arith.constant 0 : i32
        %dma_wait3A_514 = tpu.memref_slice %arg7[%add3A_507, %dma_wait3A_513] : memref<80x128xi32, #tpu.memory_space<vmem>> -> memref<1x128xi32, #tpu.memory_space<vmem>>
        %dma_wait3A_515 = tpu.memref_squeeze %dma_wait3A_514 : memref<1x128xi32, #tpu.memory_space<vmem>> -> memref<128xi32, #tpu.memory_space<vmem>>
        %dma_wait3A_516 = arith.constant 0 : i32
        %dma_wait3A_517 = arith.constant 0 : i32
        %dma_wait3A_518 = tpu.memref_slice %arg11[%dma_wait3A_516, %dma_wait3A_517] : memref<10112x16xf32, #tpu.memory_space<vmem_shared>> -> memref<10112x16xf32, #tpu.memory_space<vmem_shared>>
        tpu.wait_indirect_dma semaphore(%arg15 : memref<!tpu.dma_semaphore, #tpu.memory_space<semaphore_mem>>) src(%dma_wait3A_512 : memref<128x16xf32, #tpu.memory_space<vmem>>) dst(%dma_wait3A_518 : memref<10112x16xf32, #tpu.memory_space<vmem_shared>>)
      } else {
      }
      %add3A_274 = arith.constant 4 : i32
      %add3A_275 = arith.addi %mul3A_167, %add3A_274 : i32
      %add3A_276 = arith.constant 0 : i32
      %add3A_277 = arith.addi %add3A_275, %add3A_276 : i32
      %dma_start3A_278 = arith.constant 0 : i32
      %dma_start3A_279 = arith.constant 0 : i32
      %dma_start3A_280 = arith.constant 0 : i32
      %dma_start3A_281 = tpu.memref_slice %arg9[%dma_start3A_278, %dma_start3A_279, %dma_start3A_280] : memref<4x128x16xf32, #tpu.memory_space<vmem>> -> memref<1x128x16xf32, #tpu.memory_space<vmem>>
      %dma_start3A_282 = tpu.memref_squeeze %dma_start3A_281 : memref<1x128x16xf32, #tpu.memory_space<vmem>> -> memref<128x16xf32, #tpu.memory_space<vmem>>
      %dma_start3A_283 = arith.constant 0 : i32
      %dma_start3A_284 = tpu.memref_slice %arg6[%add3A_277, %dma_start3A_283] : memref<80x128xi32, #tpu.memory_space<vmem>> -> memref<1x128xi32, #tpu.memory_space<vmem>>
      %dma_start3A_285 = tpu.memref_squeeze %dma_start3A_284 : memref<1x128xi32, #tpu.memory_space<vmem>> -> memref<128xi32, #tpu.memory_space<vmem>>
      %dma_start3A_286 = arith.constant 0 : i32
      %dma_start3A_287 = arith.constant 0 : i32
      %dma_start3A_288 = tpu.memref_slice %arg2[%dma_start3A_286, %dma_start3A_287] : memref<10112x16xf32, #tpu.memory_space<hbm>> -> memref<10112x16xf32, #tpu.memory_space<hbm>>
      tpu.enqueue_indirect_dma source(%dma_start3A_288 : memref<10112x16xf32, #tpu.memory_space<hbm>>) target(%dma_start3A_282 : memref<128x16xf32, #tpu.memory_space<vmem>>) offsets(%dma_start3A_285 : memref<128xi32, #tpu.memory_space<vmem>>) semaphore(%arg13 : memref<!tpu.dma_semaphore, #tpu.memory_space<semaphore_mem>>)
      %add3A_289 = arith.constant 4 : i32
      %add3A_290 = arith.addi %mul3A_167, %add3A_289 : i32
      %add3A_291 = arith.constant 1 : i32
      %add3A_292 = arith.addi %add3A_290, %add3A_291 : i32
      %dma_start3A_293 = arith.constant 1 : i32
      %dma_start3A_294 = arith.constant 0 : i32
      %dma_start3A_295 = arith.constant 0 : i32
      %dma_start3A_296 = tpu.memref_slice %arg9[%dma_start3A_293, %dma_start3A_294, %dma_start3A_295] : memref<4x128x16xf32, #tpu.memory_space<vmem>> -> memref<1x128x16xf32, #tpu.memory_space<vmem>>
      %dma_start3A_297 = tpu.memref_squeeze %dma_start3A_296 : memref<1x128x16xf32, #tpu.memory_space<vmem>> -> memref<128x16xf32, #tpu.memory_space<vmem>>
      %dma_start3A_298 = arith.constant 0 : i32
      %dma_start3A_299 = tpu.memref_slice %arg6[%add3A_292, %dma_start3A_298] : memref<80x128xi32, #tpu.memory_space<vmem>> -> memref<1x128xi32, #tpu.memory_space<vmem>>
      %dma_start3A_300 = tpu.memref_squeeze %dma_start3A_299 : memref<1x128xi32, #tpu.memory_space<vmem>> -> memref<128xi32, #tpu.memory_space<vmem>>
      %dma_start3A_301 = arith.constant 0 : i32
      %dma_start3A_302 = arith.constant 0 : i32
      %dma_start3A_303 = tpu.memref_slice %arg2[%dma_start3A_301, %dma_start3A_302] : memref<10112x16xf32, #tpu.memory_space<hbm>> -> memref<10112x16xf32, #tpu.memory_space<hbm>>
      tpu.enqueue_indirect_dma source(%dma_start3A_303 : memref<10112x16xf32, #tpu.memory_space<hbm>>) target(%dma_start3A_297 : memref<128x16xf32, #tpu.memory_space<vmem>>) offsets(%dma_start3A_300 : memref<128xi32, #tpu.memory_space<vmem>>) semaphore(%arg13 : memref<!tpu.dma_semaphore, #tpu.memory_space<semaphore_mem>>)
      %add3A_304 = arith.constant 4 : i32
      %add3A_305 = arith.addi %mul3A_167, %add3A_304 : i32
      %add3A_306 = arith.constant 2 : i32
      %add3A_307 = arith.addi %add3A_305, %add3A_306 : i32
      %dma_start3A_308 = arith.constant 2 : i32
      %dma_start3A_309 = arith.constant 0 : i32
      %dma_start3A_310 = arith.constant 0 : i32
      %dma_start3A_311 = tpu.memref_slice %arg9[%dma_start3A_308, %dma_start3A_309, %dma_start3A_310] : memref<4x128x16xf32, #tpu.memory_space<vmem>> -> memref<1x128x16xf32, #tpu.memory_space<vmem>>
      %dma_start3A_312 = tpu.memref_squeeze %dma_start3A_311 : memref<1x128x16xf32, #tpu.memory_space<vmem>> -> memref<128x16xf32, #tpu.memory_space<vmem>>
      %dma_start3A_313 = arith.constant 0 : i32
      %dma_start3A_314 = tpu.memref_slice %arg6[%add3A_307, %dma_start3A_313] : memref<80x128xi32, #tpu.memory_space<vmem>> -> memref<1x128xi32, #tpu.memory_space<vmem>>
      %dma_start3A_315 = tpu.memref_squeeze %dma_start3A_314 : memref<1x128xi32, #tpu.memory_space<vmem>> -> memref<128xi32, #tpu.memory_space<vmem>>
      %dma_start3A_316 = arith.constant 0 : i32
      %dma_start3A_317 = arith.constant 0 : i32
      %dma_start3A_318 = tpu.memref_slice %arg2[%dma_start3A_316, %dma_start3A_317] : memref<10112x16xf32, #tpu.memory_space<hbm>> -> memref<10112x16xf32, #tpu.memory_space<hbm>>
      tpu.enqueue_indirect_dma source(%dma_start3A_318 : memref<10112x16xf32, #tpu.memory_space<hbm>>) target(%dma_start3A_312 : memref<128x16xf32, #tpu.memory_space<vmem>>) offsets(%dma_start3A_315 : memref<128xi32, #tpu.memory_space<vmem>>) semaphore(%arg13 : memref<!tpu.dma_semaphore, #tpu.memory_space<semaphore_mem>>)
      %add3A_319 = arith.constant 4 : i32
      %add3A_320 = arith.addi %mul3A_167, %add3A_319 : i32
      %add3A_321 = arith.constant 3 : i32
      %add3A_322 = arith.addi %add3A_320, %add3A_321 : i32
      %dma_start3A_323 = arith.constant 3 : i32
      %dma_start3A_324 = arith.constant 0 : i32
      %dma_start3A_325 = arith.constant 0 : i32
      %dma_start3A_326 = tpu.memref_slice %arg9[%dma_start3A_323, %dma_start3A_324, %dma_start3A_325] : memref<4x128x16xf32, #tpu.memory_space<vmem>> -> memref<1x128x16xf32, #tpu.memory_space<vmem>>
      %dma_start3A_327 = tpu.memref_squeeze %dma_start3A_326 : memref<1x128x16xf32, #tpu.memory_space<vmem>> -> memref<128x16xf32, #tpu.memory_space<vmem>>
      %dma_start3A_328 = arith.constant 0 : i32
      %dma_start3A_329 = tpu.memref_slice %arg6[%add3A_322, %dma_start3A_328] : memref<80x128xi32, #tpu.memory_space<vmem>> -> memref<1x128xi32, #tpu.memory_space<vmem>>
      %dma_start3A_330 = tpu.memref_squeeze %dma_start3A_329 : memref<1x128xi32, #tpu.memory_space<vmem>> -> memref<128xi32, #tpu.memory_space<vmem>>
      %dma_start3A_331 = arith.constant 0 : i32
      %dma_start3A_332 = arith.constant 0 : i32
      %dma_start3A_333 = tpu.memref_slice %arg2[%dma_start3A_331, %dma_start3A_332] : memref<10112x16xf32, #tpu.memory_space<hbm>> -> memref<10112x16xf32, #tpu.memory_space<hbm>>
      tpu.enqueue_indirect_dma source(%dma_start3A_333 : memref<10112x16xf32, #tpu.memory_space<hbm>>) target(%dma_start3A_327 : memref<128x16xf32, #tpu.memory_space<vmem>>) offsets(%dma_start3A_330 : memref<128xi32, #tpu.memory_space<vmem>>) semaphore(%arg13 : memref<!tpu.dma_semaphore, #tpu.memory_space<semaphore_mem>>)
      %add3A_334 = arith.constant 4 : i32
      %add3A_335 = arith.addi %mul3A_167, %add3A_334 : i32
      %add3A_336 = arith.constant 0 : i32
      %add3A_337 = arith.addi %add3A_335, %add3A_336 : i32
      %dma_wait3A_338 = arith.constant 0 : i32
      %dma_wait3A_339 = arith.constant 0 : i32
      %dma_wait3A_340 = arith.constant 0 : i32
      %dma_wait3A_341 = tpu.memref_slice %arg9[%dma_wait3A_338, %dma_wait3A_339, %dma_wait3A_340] : memref<4x128x16xf32, #tpu.memory_space<vmem>> -> memref<1x128x16xf32, #tpu.memory_space<vmem>>
      %dma_wait3A_342 = tpu.memref_squeeze %dma_wait3A_341 : memref<1x128x16xf32, #tpu.memory_space<vmem>> -> memref<128x16xf32, #tpu.memory_space<vmem>>
      %dma_wait3A_343 = arith.constant 0 : i32
      %dma_wait3A_344 = tpu.memref_slice %arg6[%add3A_337, %dma_wait3A_343] : memref<80x128xi32, #tpu.memory_space<vmem>> -> memref<1x128xi32, #tpu.memory_space<vmem>>
      %dma_wait3A_345 = tpu.memref_squeeze %dma_wait3A_344 : memref<1x128xi32, #tpu.memory_space<vmem>> -> memref<128xi32, #tpu.memory_space<vmem>>
      %dma_wait3A_346 = arith.constant 0 : i32
      %dma_wait3A_347 = arith.constant 0 : i32
      %dma_wait3A_348 = tpu.memref_slice %arg2[%dma_wait3A_346, %dma_wait3A_347] : memref<10112x16xf32, #tpu.memory_space<hbm>> -> memref<10112x16xf32, #tpu.memory_space<hbm>>
      tpu.wait_indirect_dma semaphore(%arg13 : memref<!tpu.dma_semaphore, #tpu.memory_space<semaphore_mem>>) src(%dma_wait3A_348 : memref<10112x16xf32, #tpu.memory_space<hbm>>) dst(%dma_wait3A_342 : memref<128x16xf32, #tpu.memory_space<vmem>>)
      %add3A_349 = arith.constant 4 : i32
      %add3A_350 = arith.addi %mul3A_167, %add3A_349 : i32
      %add3A_351 = arith.constant 1 : i32
      %add3A_352 = arith.addi %add3A_350, %add3A_351 : i32
      %dma_wait3A_353 = arith.constant 1 : i32
      %dma_wait3A_354 = arith.constant 0 : i32
      %dma_wait3A_355 = arith.constant 0 : i32
      %dma_wait3A_356 = tpu.memref_slice %arg9[%dma_wait3A_353, %dma_wait3A_354, %dma_wait3A_355] : memref<4x128x16xf32, #tpu.memory_space<vmem>> -> memref<1x128x16xf32, #tpu.memory_space<vmem>>
      %dma_wait3A_357 = tpu.memref_squeeze %dma_wait3A_356 : memref<1x128x16xf32, #tpu.memory_space<vmem>> -> memref<128x16xf32, #tpu.memory_space<vmem>>
      %dma_wait3A_358 = arith.constant 0 : i32
      %dma_wait3A_359 = tpu.memref_slice %arg6[%add3A_352, %dma_wait3A_358] : memref<80x128xi32, #tpu.memory_space<vmem>> -> memref<1x128xi32, #tpu.memory_space<vmem>>
      %dma_wait3A_360 = tpu.memref_squeeze %dma_wait3A_359 : memref<1x128xi32, #tpu.memory_space<vmem>> -> memref<128xi32, #tpu.memory_space<vmem>>
      %dma_wait3A_361 = arith.constant 0 : i32
      %dma_wait3A_362 = arith.constant 0 : i32
      %dma_wait3A_363 = tpu.memref_slice %arg2[%dma_wait3A_361, %dma_wait3A_362] : memref<10112x16xf32, #tpu.memory_space<hbm>> -> memref<10112x16xf32, #tpu.memory_space<hbm>>
      tpu.wait_indirect_dma semaphore(%arg13 : memref<!tpu.dma_semaphore, #tpu.memory_space<semaphore_mem>>) src(%dma_wait3A_363 : memref<10112x16xf32, #tpu.memory_space<hbm>>) dst(%dma_wait3A_357 : memref<128x16xf32, #tpu.memory_space<vmem>>)
      %add3A_364 = arith.constant 4 : i32
      %add3A_365 = arith.addi %mul3A_167, %add3A_364 : i32
      %add3A_366 = arith.constant 2 : i32
      %add3A_367 = arith.addi %add3A_365, %add3A_366 : i32
      %dma_wait3A_368 = arith.constant 2 : i32
      %dma_wait3A_369 = arith.constant 0 : i32
      %dma_wait3A_370 = arith.constant 0 : i32
      %dma_wait3A_371 = tpu.memref_slice %arg9[%dma_wait3A_368, %dma_wait3A_369, %dma_wait3A_370] : memref<4x128x16xf32, #tpu.memory_space<vmem>> -> memref<1x128x16xf32, #tpu.memory_space<vmem>>
      %dma_wait3A_372 = tpu.memref_squeeze %dma_wait3A_371 : memref<1x128x16xf32, #tpu.memory_space<vmem>> -> memref<128x16xf32, #tpu.memory_space<vmem>>
      %dma_wait3A_373 = arith.constant 0 : i32
      %dma_wait3A_374 = tpu.memref_slice %arg6[%add3A_367, %dma_wait3A_373] : memref<80x128xi32, #tpu.memory_space<vmem>> -> memref<1x128xi32, #tpu.memory_space<vmem>>
      %dma_wait3A_375 = tpu.memref_squeeze %dma_wait3A_374 : memref<1x128xi32, #tpu.memory_space<vmem>> -> memref<128xi32, #tpu.memory_space<vmem>>
      %dma_wait3A_376 = arith.constant 0 : i32
      %dma_wait3A_377 = arith.constant 0 : i32
      %dma_wait3A_378 = tpu.memref_slice %arg2[%dma_wait3A_376, %dma_wait3A_377] : memref<10112x16xf32, #tpu.memory_space<hbm>> -> memref<10112x16xf32, #tpu.memory_space<hbm>>
      tpu.wait_indirect_dma semaphore(%arg13 : memref<!tpu.dma_semaphore, #tpu.memory_space<semaphore_mem>>) src(%dma_wait3A_378 : memref<10112x16xf32, #tpu.memory_space<hbm>>) dst(%dma_wait3A_372 : memref<128x16xf32, #tpu.memory_space<vmem>>)
      %add3A_379 = arith.constant 4 : i32
      %add3A_380 = arith.addi %mul3A_167, %add3A_379 : i32
      %add3A_381 = arith.constant 3 : i32
      %add3A_382 = arith.addi %add3A_380, %add3A_381 : i32
      %dma_wait3A_383 = arith.constant 3 : i32
      %dma_wait3A_384 = arith.constant 0 : i32
      %dma_wait3A_385 = arith.constant 0 : i32
      %dma_wait3A_386 = tpu.memref_slice %arg9[%dma_wait3A_383, %dma_wait3A_384, %dma_wait3A_385] : memref<4x128x16xf32, #tpu.memory_space<vmem>> -> memref<1x128x16xf32, #tpu.memory_space<vmem>>
      %dma_wait3A_387 = tpu.memref_squeeze %dma_wait3A_386 : memref<1x128x16xf32, #tpu.memory_space<vmem>> -> memref<128x16xf32, #tpu.memory_space<vmem>>
      %dma_wait3A_388 = arith.constant 0 : i32
      %dma_wait3A_389 = tpu.memref_slice %arg6[%add3A_382, %dma_wait3A_388] : memref<80x128xi32, #tpu.memory_space<vmem>> -> memref<1x128xi32, #tpu.memory_space<vmem>>
      %dma_wait3A_390 = tpu.memref_squeeze %dma_wait3A_389 : memref<1x128xi32, #tpu.memory_space<vmem>> -> memref<128xi32, #tpu.memory_space<vmem>>
      %dma_wait3A_391 = arith.constant 0 : i32
      %dma_wait3A_392 = arith.constant 0 : i32
      %dma_wait3A_393 = tpu.memref_slice %arg2[%dma_wait3A_391, %dma_wait3A_392] : memref<10112x16xf32, #tpu.memory_space<hbm>> -> memref<10112x16xf32, #tpu.memory_space<hbm>>
      tpu.wait_indirect_dma semaphore(%arg13 : memref<!tpu.dma_semaphore, #tpu.memory_space<semaphore_mem>>) src(%dma_wait3A_393 : memref<10112x16xf32, #tpu.memory_space<hbm>>) dst(%dma_wait3A_387 : memref<128x16xf32, #tpu.memory_space<vmem>>)
      %add3A_394 = arith.constant 4 : i32
      %add3A_395 = arith.addi %mul3A_167, %add3A_394 : i32
      %add3A_396 = arith.constant 0 : i32
      %add3A_397 = arith.addi %add3A_395, %add3A_396 : i32
      %dma_start3A_398 = arith.constant 0 : i32
      %dma_start3A_399 = arith.constant 0 : i32
      %dma_start3A_400 = arith.constant 0 : i32
      %dma_start3A_401 = tpu.memref_slice %arg9[%dma_start3A_398, %dma_start3A_399, %dma_start3A_400] : memref<4x128x16xf32, #tpu.memory_space<vmem>> -> memref<1x128x16xf32, #tpu.memory_space<vmem>>
      %dma_start3A_402 = tpu.memref_squeeze %dma_start3A_401 : memref<1x128x16xf32, #tpu.memory_space<vmem>> -> memref<128x16xf32, #tpu.memory_space<vmem>>
      %dma_start3A_403 = arith.constant 0 : i32
      %dma_start3A_404 = tpu.memref_slice %arg7[%add3A_397, %dma_start3A_403] : memref<80x128xi32, #tpu.memory_space<vmem>> -> memref<1x128xi32, #tpu.memory_space<vmem>>
      %dma_start3A_405 = tpu.memref_squeeze %dma_start3A_404 : memref<1x128xi32, #tpu.memory_space<vmem>> -> memref<128xi32, #tpu.memory_space<vmem>>
      %dma_start3A_406 = arith.constant 0 : i32
      %dma_start3A_407 = arith.constant 0 : i32
      %dma_start3A_408 = tpu.memref_slice %arg11[%dma_start3A_406, %dma_start3A_407] : memref<10112x16xf32, #tpu.memory_space<vmem_shared>> -> memref<10112x16xf32, #tpu.memory_space<vmem_shared>>
      tpu.enqueue_indirect_dma source(%dma_start3A_402 : memref<128x16xf32, #tpu.memory_space<vmem>>) target(%dma_start3A_408 : memref<10112x16xf32, #tpu.memory_space<vmem_shared>>) offsets(%dma_start3A_405 : memref<128xi32, #tpu.memory_space<vmem>>) semaphore(%arg15 : memref<!tpu.dma_semaphore, #tpu.memory_space<semaphore_mem>>) {add = true}
      %add3A_409 = arith.constant 4 : i32
      %add3A_410 = arith.addi %mul3A_167, %add3A_409 : i32
      %add3A_411 = arith.constant 1 : i32
      %add3A_412 = arith.addi %add3A_410, %add3A_411 : i32
      %dma_start3A_413 = arith.constant 1 : i32
      %dma_start3A_414 = arith.constant 0 : i32
      %dma_start3A_415 = arith.constant 0 : i32
      %dma_start3A_416 = tpu.memref_slice %arg9[%dma_start3A_413, %dma_start3A_414, %dma_start3A_415] : memref<4x128x16xf32, #tpu.memory_space<vmem>> -> memref<1x128x16xf32, #tpu.memory_space<vmem>>
      %dma_start3A_417 = tpu.memref_squeeze %dma_start3A_416 : memref<1x128x16xf32, #tpu.memory_space<vmem>> -> memref<128x16xf32, #tpu.memory_space<vmem>>
      %dma_start3A_418 = arith.constant 0 : i32
      %dma_start3A_419 = tpu.memref_slice %arg7[%add3A_412, %dma_start3A_418] : memref<80x128xi32, #tpu.memory_space<vmem>> -> memref<1x128xi32, #tpu.memory_space<vmem>>
      %dma_start3A_420 = tpu.memref_squeeze %dma_start3A_419 : memref<1x128xi32, #tpu.memory_space<vmem>> -> memref<128xi32, #tpu.memory_space<vmem>>
      %dma_start3A_421 = arith.constant 0 : i32
      %dma_start3A_422 = arith.constant 0 : i32
      %dma_start3A_423 = tpu.memref_slice %arg11[%dma_start3A_421, %dma_start3A_422] : memref<10112x16xf32, #tpu.memory_space<vmem_shared>> -> memref<10112x16xf32, #tpu.memory_space<vmem_shared>>
      tpu.enqueue_indirect_dma source(%dma_start3A_417 : memref<128x16xf32, #tpu.memory_space<vmem>>) target(%dma_start3A_423 : memref<10112x16xf32, #tpu.memory_space<vmem_shared>>) offsets(%dma_start3A_420 : memref<128xi32, #tpu.memory_space<vmem>>) semaphore(%arg15 : memref<!tpu.dma_semaphore, #tpu.memory_space<semaphore_mem>>) {add = true}
      %add3A_424 = arith.constant 4 : i32
      %add3A_425 = arith.addi %mul3A_167, %add3A_424 : i32
      %add3A_426 = arith.constant 2 : i32
      %add3A_427 = arith.addi %add3A_425, %add3A_426 : i32
      %dma_start3A_428 = arith.constant 2 : i32
      %dma_start3A_429 = arith.constant 0 : i32
      %dma_start3A_430 = arith.constant 0 : i32
      %dma_start3A_431 = tpu.memref_slice %arg9[%dma_start3A_428, %dma_start3A_429, %dma_start3A_430] : memref<4x128x16xf32, #tpu.memory_space<vmem>> -> memref<1x128x16xf32, #tpu.memory_space<vmem>>
      %dma_start3A_432 = tpu.memref_squeeze %dma_start3A_431 : memref<1x128x16xf32, #tpu.memory_space<vmem>> -> memref<128x16xf32, #tpu.memory_space<vmem>>
      %dma_start3A_433 = arith.constant 0 : i32
      %dma_start3A_434 = tpu.memref_slice %arg7[%add3A_427, %dma_start3A_433] : memref<80x128xi32, #tpu.memory_space<vmem>> -> memref<1x128xi32, #tpu.memory_space<vmem>>
      %dma_start3A_435 = tpu.memref_squeeze %dma_start3A_434 : memref<1x128xi32, #tpu.memory_space<vmem>> -> memref<128xi32, #tpu.memory_space<vmem>>
      %dma_start3A_436 = arith.constant 0 : i32
      %dma_start3A_437 = arith.constant 0 : i32
      %dma_start3A_438 = tpu.memref_slice %arg11[%dma_start3A_436, %dma_start3A_437] : memref<10112x16xf32, #tpu.memory_space<vmem_shared>> -> memref<10112x16xf32, #tpu.memory_space<vmem_shared>>
      tpu.enqueue_indirect_dma source(%dma_start3A_432 : memref<128x16xf32, #tpu.memory_space<vmem>>) target(%dma_start3A_438 : memref<10112x16xf32, #tpu.memory_space<vmem_shared>>) offsets(%dma_start3A_435 : memref<128xi32, #tpu.memory_space<vmem>>) semaphore(%arg15 : memref<!tpu.dma_semaphore, #tpu.memory_space<semaphore_mem>>) {add = true}
      %add3A_439 = arith.constant 4 : i32
      %add3A_440 = arith.addi %mul3A_167, %add3A_439 : i32
      %add3A_441 = arith.constant 3 : i32
      %add3A_442 = arith.addi %add3A_440, %add3A_441 : i32
      %dma_start3A_443 = arith.constant 3 : i32
      %dma_start3A_444 = arith.constant 0 : i32
      %dma_start3A_445 = arith.constant 0 : i32
      %dma_start3A_446 = tpu.memref_slice %arg9[%dma_start3A_443, %dma_start3A_444, %dma_start3A_445] : memref<4x128x16xf32, #tpu.memory_space<vmem>> -> memref<1x128x16xf32, #tpu.memory_space<vmem>>
      %dma_start3A_447 = tpu.memref_squeeze %dma_start3A_446 : memref<1x128x16xf32, #tpu.memory_space<vmem>> -> memref<128x16xf32, #tpu.memory_space<vmem>>
      %dma_start3A_448 = arith.constant 0 : i32
      %dma_start3A_449 = tpu.memref_slice %arg7[%add3A_442, %dma_start3A_448] : memref<80x128xi32, #tpu.memory_space<vmem>> -> memref<1x128xi32, #tpu.memory_space<vmem>>
      %dma_start3A_450 = tpu.memref_squeeze %dma_start3A_449 : memref<1x128xi32, #tpu.memory_space<vmem>> -> memref<128xi32, #tpu.memory_space<vmem>>
      %dma_start3A_451 = arith.constant 0 : i32
      %dma_start3A_452 = arith.constant 0 : i32
      %dma_start3A_453 = tpu.memref_slice %arg11[%dma_start3A_451, %dma_start3A_452] : memref<10112x16xf32, #tpu.memory_space<vmem_shared>> -> memref<10112x16xf32, #tpu.memory_space<vmem_shared>>
      tpu.enqueue_indirect_dma source(%dma_start3A_447 : memref<128x16xf32, #tpu.memory_space<vmem>>) target(%dma_start3A_453 : memref<10112x16xf32, #tpu.memory_space<vmem_shared>>) offsets(%dma_start3A_450 : memref<128xi32, #tpu.memory_space<vmem>>) semaphore(%arg15 : memref<!tpu.dma_semaphore, #tpu.memory_space<semaphore_mem>>) {add = true}
      %add3A_454 = arith.constant 1 : i32
      %add3A_455 = arith.addi %add3A_163, %add3A_454 : i32
      %lt3A = arith.constant 10 : i32
      %lt3A_456 = arith.cmpi slt, %add3A_455, %lt3A : i32
      %convert_element_type3A_457 = arith.extui %lt3A_456 : i1 to i32
      %cond3A_458 = arith.constant 0 : i32
      %cond3A_459 = arith.cmpi ne, %convert_element_type3A_457, %cond3A_458 : i32
      scf.if %cond3A_459 {
        %add3A_460 = arith.constant 0 : i32
        %add3A_461 = arith.addi %mul3A_167, %add3A_460 : i32
        %dma_wait3A_462 = arith.constant 0 : i32
        %dma_wait3A_463 = arith.constant 0 : i32
        %dma_wait3A_464 = arith.constant 0 : i32
        %dma_wait3A_465 = tpu.memref_slice %arg8[%dma_wait3A_462, %dma_wait3A_463, %dma_wait3A_464] : memref<4x128x16xf32, #tpu.memory_space<vmem>> -> memref<1x128x16xf32, #tpu.memory_space<vmem>>
        %dma_wait3A_466 = tpu.memref_squeeze %dma_wait3A_465 : memref<1x128x16xf32, #tpu.memory_space<vmem>> -> memref<128x16xf32, #tpu.memory_space<vmem>>
        %dma_wait3A_467 = arith.constant 0 : i32
        %dma_wait3A_468 = tpu.memref_slice %arg7[%add3A_461, %dma_wait3A_467] : memref<80x128xi32, #tpu.memory_space<vmem>> -> memref<1x128xi32, #tpu.memory_space<vmem>>
        %dma_wait3A_469 = tpu.memref_squeeze %dma_wait3A_468 : memref<1x128xi32, #tpu.memory_space<vmem>> -> memref<128xi32, #tpu.memory_space<vmem>>
        %dma_wait3A_470 = arith.constant 0 : i32
        %dma_wait3A_471 = arith.constant 0 : i32
        %dma_wait3A_472 = tpu.memref_slice %arg11[%dma_wait3A_470, %dma_wait3A_471] : memref<10112x16xf32, #tpu.memory_space<vmem_shared>> -> memref<10112x16xf32, #tpu.memory_space<vmem_shared>>
        tpu.wait_indirect_dma semaphore(%arg14 : memref<!tpu.dma_semaphore, #tpu.memory_space<semaphore_mem>>) src(%dma_wait3A_466 : memref<128x16xf32, #tpu.memory_space<vmem>>) dst(%dma_wait3A_472 : memref<10112x16xf32, #tpu.memory_space<vmem_shared>>)
        %add3A_473 = arith.constant 1 : i32
        %add3A_474 = arith.addi %mul3A_167, %add3A_473 : i32
        %dma_wait3A_475 = arith.constant 1 : i32
        %dma_wait3A_476 = arith.constant 0 : i32
        %dma_wait3A_477 = arith.constant 0 : i32
        %dma_wait3A_478 = tpu.memref_slice %arg8[%dma_wait3A_475, %dma_wait3A_476, %dma_wait3A_477] : memref<4x128x16xf32, #tpu.memory_space<vmem>> -> memref<1x128x16xf32, #tpu.memory_space<vmem>>
        %dma_wait3A_479 = tpu.memref_squeeze %dma_wait3A_478 : memref<1x128x16xf32, #tpu.memory_space<vmem>> -> memref<128x16xf32, #tpu.memory_space<vmem>>
        %dma_wait3A_480 = arith.constant 0 : i32
        %dma_wait3A_481 = tpu.memref_slice %arg7[%add3A_474, %dma_wait3A_480] : memref<80x128xi32, #tpu.memory_space<vmem>> -> memref<1x128xi32, #tpu.memory_space<vmem>>
        %dma_wait3A_482 = tpu.memref_squeeze %dma_wait3A_481 : memref<1x128xi32, #tpu.memory_space<vmem>> -> memref<128xi32, #tpu.memory_space<vmem>>
        %dma_wait3A_483 = arith.constant 0 : i32
        %dma_wait3A_484 = arith.constant 0 : i32
        %dma_wait3A_485 = tpu.memref_slice %arg11[%dma_wait3A_483, %dma_wait3A_484] : memref<10112x16xf32, #tpu.memory_space<vmem_shared>> -> memref<10112x16xf32, #tpu.memory_space<vmem_shared>>
        tpu.wait_indirect_dma semaphore(%arg14 : memref<!tpu.dma_semaphore, #tpu.memory_space<semaphore_mem>>) src(%dma_wait3A_479 : memref<128x16xf32, #tpu.memory_space<vmem>>) dst(%dma_wait3A_485 : memref<10112x16xf32, #tpu.memory_space<vmem_shared>>)
        %add3A_486 = arith.constant 2 : i32
        %add3A_487 = arith.addi %mul3A_167, %add3A_486 : i32
        %dma_wait3A_488 = arith.constant 2 : i32
        %dma_wait3A_489 = arith.constant 0 : i32
        %dma_wait3A_490 = arith.constant 0 : i32
        %dma_wait3A_491 = tpu.memref_slice %arg8[%dma_wait3A_488, %dma_wait3A_489, %dma_wait3A_490] : memref<4x128x16xf32, #tpu.memory_space<vmem>> -> memref<1x128x16xf32, #tpu.memory_space<vmem>>
        %dma_wait3A_492 = tpu.memref_squeeze %dma_wait3A_491 : memref<1x128x16xf32, #tpu.memory_space<vmem>> -> memref<128x16xf32, #tpu.memory_space<vmem>>
        %dma_wait3A_493 = arith.constant 0 : i32
        %dma_wait3A_494 = tpu.memref_slice %arg7[%add3A_487, %dma_wait3A_493] : memref<80x128xi32, #tpu.memory_space<vmem>> -> memref<1x128xi32, #tpu.memory_space<vmem>>
        %dma_wait3A_495 = tpu.memref_squeeze %dma_wait3A_494 : memref<1x128xi32, #tpu.memory_space<vmem>> -> memref<128xi32, #tpu.memory_space<vmem>>
        %dma_wait3A_496 = arith.constant 0 : i32
        %dma_wait3A_497 = arith.constant 0 : i32
        %dma_wait3A_498 = tpu.memref_slice %arg11[%dma_wait3A_496, %dma_wait3A_497] : memref<10112x16xf32, #tpu.memory_space<vmem_shared>> -> memref<10112x16xf32, #tpu.memory_space<vmem_shared>>
        tpu.wait_indirect_dma semaphore(%arg14 : memref<!tpu.dma_semaphore, #tpu.memory_space<semaphore_mem>>) src(%dma_wait3A_492 : memref<128x16xf32, #tpu.memory_space<vmem>>) dst(%dma_wait3A_498 : memref<10112x16xf32, #tpu.memory_space<vmem_shared>>)
        %add3A_499 = arith.constant 3 : i32
        %add3A_500 = arith.addi %mul3A_167, %add3A_499 : i32
        %dma_wait3A_501 = arith.constant 3 : i32
        %dma_wait3A_502 = arith.constant 0 : i32
        %dma_wait3A_503 = arith.constant 0 : i32
        %dma_wait3A_504 = tpu.memref_slice %arg8[%dma_wait3A_501, %dma_wait3A_502, %dma_wait3A_503] : memref<4x128x16xf32, #tpu.memory_space<vmem>> -> memref<1x128x16xf32, #tpu.memory_space<vmem>>
        %dma_wait3A_505 = tpu.memref_squeeze %dma_wait3A_504 : memref<1x128x16xf32, #tpu.memory_space<vmem>> -> memref<128x16xf32, #tpu.memory_space<vmem>>
        %dma_wait3A_506 = arith.constant 0 : i32
        %dma_wait3A_507 = tpu.memref_slice %arg7[%add3A_500, %dma_wait3A_506] : memref<80x128xi32, #tpu.memory_space<vmem>> -> memref<1x128xi32, #tpu.memory_space<vmem>>
        %dma_wait3A_508 = tpu.memref_squeeze %dma_wait3A_507 : memref<1x128xi32, #tpu.memory_space<vmem>> -> memref<128xi32, #tpu.memory_space<vmem>>
        %dma_wait3A_509 = arith.constant 0 : i32
        %dma_wait3A_510 = arith.constant 0 : i32
        %dma_wait3A_511 = tpu.memref_slice %arg11[%dma_wait3A_509, %dma_wait3A_510] : memref<10112x16xf32, #tpu.memory_space<vmem_shared>> -> memref<10112x16xf32, #tpu.memory_space<vmem_shared>>
        tpu.wait_indirect_dma semaphore(%arg14 : memref<!tpu.dma_semaphore, #tpu.memory_space<semaphore_mem>>) src(%dma_wait3A_505 : memref<128x16xf32, #tpu.memory_space<vmem>>) dst(%dma_wait3A_511 : memref<10112x16xf32, #tpu.memory_space<vmem_shared>>)
        %add3A_512 = arith.constant 8 : i32
        %add3A_513 = arith.addi %mul3A_167, %add3A_512 : i32
        %add3A_514 = arith.constant 0 : i32
        %add3A_515 = arith.addi %add3A_513, %add3A_514 : i32
        %dma_start3A_516 = arith.constant 0 : i32
        %dma_start3A_517 = arith.constant 0 : i32
        %dma_start3A_518 = arith.constant 0 : i32
        %dma_start3A_519 = tpu.memref_slice %arg8[%dma_start3A_516, %dma_start3A_517, %dma_start3A_518] : memref<4x128x16xf32, #tpu.memory_space<vmem>> -> memref<1x128x16xf32, #tpu.memory_space<vmem>>
        %dma_start3A_520 = tpu.memref_squeeze %dma_start3A_519 : memref<1x128x16xf32, #tpu.memory_space<vmem>> -> memref<128x16xf32, #tpu.memory_space<vmem>>
        %dma_start3A_521 = arith.constant 0 : i32
        %dma_start3A_522 = tpu.memref_slice %arg6[%add3A_515, %dma_start3A_521] : memref<80x128xi32, #tpu.memory_space<vmem>> -> memref<1x128xi32, #tpu.memory_space<vmem>>
        %dma_start3A_523 = tpu.memref_squeeze %dma_start3A_522 : memref<1x128xi32, #tpu.memory_space<vmem>> -> memref<128xi32, #tpu.memory_space<vmem>>
        %dma_start3A_524 = arith.constant 0 : i32
        %dma_start3A_525 = arith.constant 0 : i32
        %dma_start3A_526 = tpu.memref_slice %arg2[%dma_start3A_524, %dma_start3A_525] : memref<10112x16xf32, #tpu.memory_space<hbm>> -> memref<10112x16xf32, #tpu.memory_space<hbm>>
        tpu.enqueue_indirect_dma source(%dma_start3A_526 : memref<10112x16xf32, #tpu.memory_space<hbm>>) target(%dma_start3A_520 : memref<128x16xf32, #tpu.memory_space<vmem>>) offsets(%dma_start3A_523 : memref<128xi32, #tpu.memory_space<vmem>>) semaphore(%arg12 : memref<!tpu.dma_semaphore, #tpu.memory_space<semaphore_mem>>)
        %add3A_527 = arith.constant 8 : i32
        %add3A_528 = arith.addi %mul3A_167, %add3A_527 : i32
        %add3A_529 = arith.constant 1 : i32
        %add3A_530 = arith.addi %add3A_528, %add3A_529 : i32
        %dma_start3A_531 = arith.constant 1 : i32
        %dma_start3A_532 = arith.constant 0 : i32
        %dma_start3A_533 = arith.constant 0 : i32
        %dma_start3A_534 = tpu.memref_slice %arg8[%dma_start3A_531, %dma_start3A_532, %dma_start3A_533] : memref<4x128x16xf32, #tpu.memory_space<vmem>> -> memref<1x128x16xf32, #tpu.memory_space<vmem>>
        %dma_start3A_535 = tpu.memref_squeeze %dma_start3A_534 : memref<1x128x16xf32, #tpu.memory_space<vmem>> -> memref<128x16xf32, #tpu.memory_space<vmem>>
        %dma_start3A_536 = arith.constant 0 : i32
        %dma_start3A_537 = tpu.memref_slice %arg6[%add3A_530, %dma_start3A_536] : memref<80x128xi32, #tpu.memory_space<vmem>> -> memref<1x128xi32, #tpu.memory_space<vmem>>
        %dma_start3A_538 = tpu.memref_squeeze %dma_start3A_537 : memref<1x128xi32, #tpu.memory_space<vmem>> -> memref<128xi32, #tpu.memory_space<vmem>>
        %dma_start3A_539 = arith.constant 0 : i32
        %dma_start3A_540 = arith.constant 0 : i32
        %dma_start3A_541 = tpu.memref_slice %arg2[%dma_start3A_539, %dma_start3A_540] : memref<10112x16xf32, #tpu.memory_space<hbm>> -> memref<10112x16xf32, #tpu.memory_space<hbm>>
        tpu.enqueue_indirect_dma source(%dma_start3A_541 : memref<10112x16xf32, #tpu.memory_space<hbm>>) target(%dma_start3A_535 : memref<128x16xf32, #tpu.memory_space<vmem>>) offsets(%dma_start3A_538 : memref<128xi32, #tpu.memory_space<vmem>>) semaphore(%arg12 : memref<!tpu.dma_semaphore, #tpu.memory_space<semaphore_mem>>)
        %add3A_542 = arith.constant 8 : i32
        %add3A_543 = arith.addi %mul3A_167, %add3A_542 : i32
        %add3A_544 = arith.constant 2 : i32
        %add3A_545 = arith.addi %add3A_543, %add3A_544 : i32
        %dma_start3A_546 = arith.constant 2 : i32
        %dma_start3A_547 = arith.constant 0 : i32
        %dma_start3A_548 = arith.constant 0 : i32
        %dma_start3A_549 = tpu.memref_slice %arg8[%dma_start3A_546, %dma_start3A_547, %dma_start3A_548] : memref<4x128x16xf32, #tpu.memory_space<vmem>> -> memref<1x128x16xf32, #tpu.memory_space<vmem>>
        %dma_start3A_550 = tpu.memref_squeeze %dma_start3A_549 : memref<1x128x16xf32, #tpu.memory_space<vmem>> -> memref<128x16xf32, #tpu.memory_space<vmem>>
        %dma_start3A_551 = arith.constant 0 : i32
        %dma_start3A_552 = tpu.memref_slice %arg6[%add3A_545, %dma_start3A_551] : memref<80x128xi32, #tpu.memory_space<vmem>> -> memref<1x128xi32, #tpu.memory_space<vmem>>
        %dma_start3A_553 = tpu.memref_squeeze %dma_start3A_552 : memref<1x128xi32, #tpu.memory_space<vmem>> -> memref<128xi32, #tpu.memory_space<vmem>>
        %dma_start3A_554 = arith.constant 0 : i32
        %dma_start3A_555 = arith.constant 0 : i32
        %dma_start3A_556 = tpu.memref_slice %arg2[%dma_start3A_554, %dma_start3A_555] : memref<10112x16xf32, #tpu.memory_space<hbm>> -> memref<10112x16xf32, #tpu.memory_space<hbm>>
        tpu.enqueue_indirect_dma source(%dma_start3A_556 : memref<10112x16xf32, #tpu.memory_space<hbm>>) target(%dma_start3A_550 : memref<128x16xf32, #tpu.memory_space<vmem>>) offsets(%dma_start3A_553 : memref<128xi32, #tpu.memory_space<vmem>>) semaphore(%arg12 : memref<!tpu.dma_semaphore, #tpu.memory_space<semaphore_mem>>)
        %add3A_557 = arith.constant 8 : i32
        %add3A_558 = arith.addi %mul3A_167, %add3A_557 : i32
        %add3A_559 = arith.constant 3 : i32
        %add3A_560 = arith.addi %add3A_558, %add3A_559 : i32
        %dma_start3A_561 = arith.constant 3 : i32
        %dma_start3A_562 = arith.constant 0 : i32
        %dma_start3A_563 = arith.constant 0 : i32
        %dma_start3A_564 = tpu.memref_slice %arg8[%dma_start3A_561, %dma_start3A_562, %dma_start3A_563] : memref<4x128x16xf32, #tpu.memory_space<vmem>> -> memref<1x128x16xf32, #tpu.memory_space<vmem>>
        %dma_start3A_565 = tpu.memref_squeeze %dma_start3A_564 : memref<1x128x16xf32, #tpu.memory_space<vmem>> -> memref<128x16xf32, #tpu.memory_space<vmem>>
        %dma_start3A_566 = arith.constant 0 : i32
        %dma_start3A_567 = tpu.memref_slice %arg6[%add3A_560, %dma_start3A_566] : memref<80x128xi32, #tpu.memory_space<vmem>> -> memref<1x128xi32, #tpu.memory_space<vmem>>
        %dma_start3A_568 = tpu.memref_squeeze %dma_start3A_567 : memref<1x128xi32, #tpu.memory_space<vmem>> -> memref<128xi32, #tpu.memory_space<vmem>>
        %dma_start3A_569 = arith.constant 0 : i32
        %dma_start3A_570 = arith.constant 0 : i32
        %dma_start3A_571 = tpu.memref_slice %arg2[%dma_start3A_569, %dma_start3A_570] : memref<10112x16xf32, #tpu.memory_space<hbm>> -> memref<10112x16xf32, #tpu.memory_space<hbm>>
        tpu.enqueue_indirect_dma source(%dma_start3A_571 : memref<10112x16xf32, #tpu.memory_space<hbm>>) target(%dma_start3A_565 : memref<128x16xf32, #tpu.memory_space<vmem>>) offsets(%dma_start3A_568 : memref<128xi32, #tpu.memory_space<vmem>>) semaphore(%arg12 : memref<!tpu.dma_semaphore, #tpu.memory_space<semaphore_mem>>)
      } else {
      }
    }
    %scan3A_58 = arith.constant 10 : i32
    %dma_wait3A = arith.constant 0 : i32
    %dma_wait3A_59 = arith.constant 72 : i32
    %dma_wait3A_60 = arith.constant 0 : i32
    %dma_wait3A_61 = arith.constant 0 : i32
    %dma_wait3A_62 = tpu.memref_slice %arg8[%dma_wait3A, %dma_wait3A_60, %dma_wait3A_61] : memref<4x128x16xf32, #tpu.memory_space<vmem>> -> memref<1x128x16xf32, #tpu.memory_space<vmem>>
    %dma_wait3A_63 = tpu.memref_squeeze %dma_wait3A_62 : memref<1x128x16xf32, #tpu.memory_space<vmem>> -> memref<128x16xf32, #tpu.memory_space<vmem>>
    %dma_wait3A_64 = arith.constant 0 : i32
    %dma_wait3A_65 = tpu.memref_slice %arg7[%dma_wait3A_59, %dma_wait3A_64] : memref<80x128xi32, #tpu.memory_space<vmem>> -> memref<1x128xi32, #tpu.memory_space<vmem>>
    %dma_wait3A_66 = tpu.memref_squeeze %dma_wait3A_65 : memref<1x128xi32, #tpu.memory_space<vmem>> -> memref<128xi32, #tpu.memory_space<vmem>>
    %dma_wait3A_67 = arith.constant 0 : i32
    %dma_wait3A_68 = arith.constant 0 : i32
    %dma_wait3A_69 = tpu.memref_slice %arg11[%dma_wait3A_67, %dma_wait3A_68] : memref<10112x16xf32, #tpu.memory_space<vmem_shared>> -> memref<10112x16xf32, #tpu.memory_space<vmem_shared>>
    tpu.wait_indirect_dma semaphore(%arg14 : memref<!tpu.dma_semaphore, #tpu.memory_space<semaphore_mem>>) src(%dma_wait3A_63 : memref<128x16xf32, #tpu.memory_space<vmem>>) dst(%dma_wait3A_69 : memref<10112x16xf32, #tpu.memory_space<vmem_shared>>)
    %dma_wait3A_70 = arith.constant 1 : i32
    %dma_wait3A_71 = arith.constant 73 : i32
    %dma_wait3A_72 = arith.constant 0 : i32
    %dma_wait3A_73 = arith.constant 0 : i32
    %dma_wait3A_74 = tpu.memref_slice %arg8[%dma_wait3A_70, %dma_wait3A_72, %dma_wait3A_73] : memref<4x128x16xf32, #tpu.memory_space<vmem>> -> memref<1x128x16xf32, #tpu.memory_space<vmem>>
    %dma_wait3A_75 = tpu.memref_squeeze %dma_wait3A_74 : memref<1x128x16xf32, #tpu.memory_space<vmem>> -> memref<128x16xf32, #tpu.memory_space<vmem>>
    %dma_wait3A_76 = arith.constant 0 : i32
    %dma_wait3A_77 = tpu.memref_slice %arg7[%dma_wait3A_71, %dma_wait3A_76] : memref<80x128xi32, #tpu.memory_space<vmem>> -> memref<1x128xi32, #tpu.memory_space<vmem>>
    %dma_wait3A_78 = tpu.memref_squeeze %dma_wait3A_77 : memref<1x128xi32, #tpu.memory_space<vmem>> -> memref<128xi32, #tpu.memory_space<vmem>>
    %dma_wait3A_79 = arith.constant 0 : i32
    %dma_wait3A_80 = arith.constant 0 : i32
    %dma_wait3A_81 = tpu.memref_slice %arg11[%dma_wait3A_79, %dma_wait3A_80] : memref<10112x16xf32, #tpu.memory_space<vmem_shared>> -> memref<10112x16xf32, #tpu.memory_space<vmem_shared>>
    tpu.wait_indirect_dma semaphore(%arg14 : memref<!tpu.dma_semaphore, #tpu.memory_space<semaphore_mem>>) src(%dma_wait3A_75 : memref<128x16xf32, #tpu.memory_space<vmem>>) dst(%dma_wait3A_81 : memref<10112x16xf32, #tpu.memory_space<vmem_shared>>)
    %dma_wait3A_82 = arith.constant 2 : i32
    %dma_wait3A_83 = arith.constant 74 : i32
    %dma_wait3A_84 = arith.constant 0 : i32
    %dma_wait3A_85 = arith.constant 0 : i32
    %dma_wait3A_86 = tpu.memref_slice %arg8[%dma_wait3A_82, %dma_wait3A_84, %dma_wait3A_85] : memref<4x128x16xf32, #tpu.memory_space<vmem>> -> memref<1x128x16xf32, #tpu.memory_space<vmem>>
    %dma_wait3A_87 = tpu.memref_squeeze %dma_wait3A_86 : memref<1x128x16xf32, #tpu.memory_space<vmem>> -> memref<128x16xf32, #tpu.memory_space<vmem>>
    %dma_wait3A_88 = arith.constant 0 : i32
    %dma_wait3A_89 = tpu.memref_slice %arg7[%dma_wait3A_83, %dma_wait3A_88] : memref<80x128xi32, #tpu.memory_space<vmem>> -> memref<1x128xi32, #tpu.memory_space<vmem>>
    %dma_wait3A_90 = tpu.memref_squeeze %dma_wait3A_89 : memref<1x128xi32, #tpu.memory_space<vmem>> -> memref<128xi32, #tpu.memory_space<vmem>>
    %dma_wait3A_91 = arith.constant 0 : i32
    %dma_wait3A_92 = arith.constant 0 : i32
    %dma_wait3A_93 = tpu.memref_slice %arg11[%dma_wait3A_91, %dma_wait3A_92] : memref<10112x16xf32, #tpu.memory_space<vmem_shared>> -> memref<10112x16xf32, #tpu.memory_space<vmem_shared>>
    tpu.wait_indirect_dma semaphore(%arg14 : memref<!tpu.dma_semaphore, #tpu.memory_space<semaphore_mem>>) src(%dma_wait3A_87 : memref<128x16xf32, #tpu.memory_space<vmem>>) dst(%dma_wait3A_93 : memref<10112x16xf32, #tpu.memory_space<vmem_shared>>)
    %dma_wait3A_94 = arith.constant 3 : i32
    %dma_wait3A_95 = arith.constant 75 : i32
    %dma_wait3A_96 = arith.constant 0 : i32
    %dma_wait3A_97 = arith.constant 0 : i32
    %dma_wait3A_98 = tpu.memref_slice %arg8[%dma_wait3A_94, %dma_wait3A_96, %dma_wait3A_97] : memref<4x128x16xf32, #tpu.memory_space<vmem>> -> memref<1x128x16xf32, #tpu.memory_space<vmem>>
    %dma_wait3A_99 = tpu.memref_squeeze %dma_wait3A_98 : memref<1x128x16xf32, #tpu.memory_space<vmem>> -> memref<128x16xf32, #tpu.memory_space<vmem>>
    %dma_wait3A_100 = arith.constant 0 : i32
    %dma_wait3A_101 = tpu.memref_slice %arg7[%dma_wait3A_95, %dma_wait3A_100] : memref<80x128xi32, #tpu.memory_space<vmem>> -> memref<1x128xi32, #tpu.memory_space<vmem>>
    %dma_wait3A_102 = tpu.memref_squeeze %dma_wait3A_101 : memref<1x128xi32, #tpu.memory_space<vmem>> -> memref<128xi32, #tpu.memory_space<vmem>>
    %dma_wait3A_103 = arith.constant 0 : i32
    %dma_wait3A_104 = arith.constant 0 : i32
    %dma_wait3A_105 = tpu.memref_slice %arg11[%dma_wait3A_103, %dma_wait3A_104] : memref<10112x16xf32, #tpu.memory_space<vmem_shared>> -> memref<10112x16xf32, #tpu.memory_space<vmem_shared>>
    tpu.wait_indirect_dma semaphore(%arg14 : memref<!tpu.dma_semaphore, #tpu.memory_space<semaphore_mem>>) src(%dma_wait3A_99 : memref<128x16xf32, #tpu.memory_space<vmem>>) dst(%dma_wait3A_105 : memref<10112x16xf32, #tpu.memory_space<vmem_shared>>)
    %dma_wait3A_106 = arith.constant 0 : i32
    %dma_wait3A_107 = arith.constant 76 : i32
    %dma_wait3A_108 = arith.constant 0 : i32
    %dma_wait3A_109 = arith.constant 0 : i32
    %dma_wait3A_110 = tpu.memref_slice %arg9[%dma_wait3A_106, %dma_wait3A_108, %dma_wait3A_109] : memref<4x128x16xf32, #tpu.memory_space<vmem>> -> memref<1x128x16xf32, #tpu.memory_space<vmem>>
    %dma_wait3A_111 = tpu.memref_squeeze %dma_wait3A_110 : memref<1x128x16xf32, #tpu.memory_space<vmem>> -> memref<128x16xf32, #tpu.memory_space<vmem>>
    %dma_wait3A_112 = arith.constant 0 : i32
    %dma_wait3A_113 = tpu.memref_slice %arg7[%dma_wait3A_107, %dma_wait3A_112] : memref<80x128xi32, #tpu.memory_space<vmem>> -> memref<1x128xi32, #tpu.memory_space<vmem>>
    %dma_wait3A_114 = tpu.memref_squeeze %dma_wait3A_113 : memref<1x128xi32, #tpu.memory_space<vmem>> -> memref<128xi32, #tpu.memory_space<vmem>>
    %dma_wait3A_115 = arith.constant 0 : i32
    %dma_wait3A_116 = arith.constant 0 : i32
    %dma_wait3A_117 = tpu.memref_slice %arg11[%dma_wait3A_115, %dma_wait3A_116] : memref<10112x16xf32, #tpu.memory_space<vmem_shared>> -> memref<10112x16xf32, #tpu.memory_space<vmem_shared>>
    tpu.wait_indirect_dma semaphore(%arg15 : memref<!tpu.dma_semaphore, #tpu.memory_space<semaphore_mem>>) src(%dma_wait3A_111 : memref<128x16xf32, #tpu.memory_space<vmem>>) dst(%dma_wait3A_117 : memref<10112x16xf32, #tpu.memory_space<vmem_shared>>)
    %dma_wait3A_118 = arith.constant 1 : i32
    %dma_wait3A_119 = arith.constant 77 : i32
    %dma_wait3A_120 = arith.constant 0 : i32
    %dma_wait3A_121 = arith.constant 0 : i32
    %dma_wait3A_122 = tpu.memref_slice %arg9[%dma_wait3A_118, %dma_wait3A_120, %dma_wait3A_121] : memref<4x128x16xf32, #tpu.memory_space<vmem>> -> memref<1x128x16xf32, #tpu.memory_space<vmem>>
    %dma_wait3A_123 = tpu.memref_squeeze %dma_wait3A_122 : memref<1x128x16xf32, #tpu.memory_space<vmem>> -> memref<128x16xf32, #tpu.memory_space<vmem>>
    %dma_wait3A_124 = arith.constant 0 : i32
    %dma_wait3A_125 = tpu.memref_slice %arg7[%dma_wait3A_119, %dma_wait3A_124] : memref<80x128xi32, #tpu.memory_space<vmem>> -> memref<1x128xi32, #tpu.memory_space<vmem>>
    %dma_wait3A_126 = tpu.memref_squeeze %dma_wait3A_125 : memref<1x128xi32, #tpu.memory_space<vmem>> -> memref<128xi32, #tpu.memory_space<vmem>>
    %dma_wait3A_127 = arith.constant 0 : i32
    %dma_wait3A_128 = arith.constant 0 : i32
    %dma_wait3A_129 = tpu.memref_slice %arg11[%dma_wait3A_127, %dma_wait3A_128] : memref<10112x16xf32, #tpu.memory_space<vmem_shared>> -> memref<10112x16xf32, #tpu.memory_space<vmem_shared>>
    tpu.wait_indirect_dma semaphore(%arg15 : memref<!tpu.dma_semaphore, #tpu.memory_space<semaphore_mem>>) src(%dma_wait3A_123 : memref<128x16xf32, #tpu.memory_space<vmem>>) dst(%dma_wait3A_129 : memref<10112x16xf32, #tpu.memory_space<vmem_shared>>)
    %dma_wait3A_130 = arith.constant 2 : i32
    %dma_wait3A_131 = arith.constant 78 : i32
    %dma_wait3A_132 = arith.constant 0 : i32
    %dma_wait3A_133 = arith.constant 0 : i32
    %dma_wait3A_134 = tpu.memref_slice %arg9[%dma_wait3A_130, %dma_wait3A_132, %dma_wait3A_133] : memref<4x128x16xf32, #tpu.memory_space<vmem>> -> memref<1x128x16xf32, #tpu.memory_space<vmem>>
    %dma_wait3A_135 = tpu.memref_squeeze %dma_wait3A_134 : memref<1x128x16xf32, #tpu.memory_space<vmem>> -> memref<128x16xf32, #tpu.memory_space<vmem>>
    %dma_wait3A_136 = arith.constant 0 : i32
    %dma_wait3A_137 = tpu.memref_slice %arg7[%dma_wait3A_131, %dma_wait3A_136] : memref<80x128xi32, #tpu.memory_space<vmem>> -> memref<1x128xi32, #tpu.memory_space<vmem>>
    %dma_wait3A_138 = tpu.memref_squeeze %dma_wait3A_137 : memref<1x128xi32, #tpu.memory_space<vmem>> -> memref<128xi32, #tpu.memory_space<vmem>>
    %dma_wait3A_139 = arith.constant 0 : i32
    %dma_wait3A_140 = arith.constant 0 : i32
    %dma_wait3A_141 = tpu.memref_slice %arg11[%dma_wait3A_139, %dma_wait3A_140] : memref<10112x16xf32, #tpu.memory_space<vmem_shared>> -> memref<10112x16xf32, #tpu.memory_space<vmem_shared>>
    tpu.wait_indirect_dma semaphore(%arg15 : memref<!tpu.dma_semaphore, #tpu.memory_space<semaphore_mem>>) src(%dma_wait3A_135 : memref<128x16xf32, #tpu.memory_space<vmem>>) dst(%dma_wait3A_141 : memref<10112x16xf32, #tpu.memory_space<vmem_shared>>)
    %dma_wait3A_142 = arith.constant 3 : i32
    %dma_wait3A_143 = arith.constant 79 : i32
    %dma_wait3A_144 = arith.constant 0 : i32
    %dma_wait3A_145 = arith.constant 0 : i32
    %dma_wait3A_146 = tpu.memref_slice %arg9[%dma_wait3A_142, %dma_wait3A_144, %dma_wait3A_145] : memref<4x128x16xf32, #tpu.memory_space<vmem>> -> memref<1x128x16xf32, #tpu.memory_space<vmem>>
    %dma_wait3A_147 = tpu.memref_squeeze %dma_wait3A_146 : memref<1x128x16xf32, #tpu.memory_space<vmem>> -> memref<128x16xf32, #tpu.memory_space<vmem>>
    %dma_wait3A_148 = arith.constant 0 : i32
    %dma_wait3A_149 = tpu.memref_slice %arg7[%dma_wait3A_143, %dma_wait3A_148] : memref<80x128xi32, #tpu.memory_space<vmem>> -> memref<1x128xi32, #tpu.memory_space<vmem>>
    %dma_wait3A_150 = tpu.memref_squeeze %dma_wait3A_149 : memref<1x128xi32, #tpu.memory_space<vmem>> -> memref<128xi32, #tpu.memory_space<vmem>>
    %dma_wait3A_151 = arith.constant 0 : i32
    %dma_wait3A_152 = arith.constant 0 : i32
    %dma_wait3A_153 = tpu.memref_slice %arg11[%dma_wait3A_151, %dma_wait3A_152] : memref<10112x16xf32, #tpu.memory_space<vmem_shared>> -> memref<10112x16xf32, #tpu.memory_space<vmem_shared>>
    tpu.wait_indirect_dma semaphore(%arg15 : memref<!tpu.dma_semaphore, #tpu.memory_space<semaphore_mem>>) src(%dma_wait3A_147 : memref<128x16xf32, #tpu.memory_space<vmem>>) dst(%dma_wait3A_153 : memref<10112x16xf32, #tpu.memory_space<vmem_shared>>)
    %barrier3A_154 = arith.constant 0 : index
    tpu.barrier barrier_id(%barrier3A_154)
    %mul3A_155 = arith.constant 632 : i32
    %mul3A_156 = arith.muli %arg1, %mul3A_155 : i32
    "tpu.region"() ({
      %run_scoped3A = tpu.sem_alloc : memref<!tpu.dma_semaphore, #tpu.memory_space<semaphore_mem>>
      %dma_start3A_159 = arith.constant 0 : i32
      %dma_start3A_160 = tpu.memref_slice %arg11[%mul3A_156, %dma_start3A_159] : memref<10112x16xf32, #tpu.memory_space<vmem_shared>> -> memref<632x16xf32, #tpu.memory_space<vmem_shared>>
      %dma_start3A_161 = arith.constant 0 : i32
      %dma_start3A_162 = tpu.memref_slice %arg11[%mul3A_156, %dma_start3A_161] : memref<10112x16xf32, #tpu.memory_space<vmem_shared>> -> memref<632x16xf32, #tpu.memory_space<vmem_shared>>
      tpu.enqueue_dma source(%dma_start3A_162 : memref<632x16xf32, #tpu.memory_space<vmem_shared>>) target(%arg10 : memref<632x16xf32, #tpu.memory_space<vmem>>) target_semaphore(%run_scoped3A : memref<!tpu.dma_semaphore, #tpu.memory_space<semaphore_mem>>)
      %dma_wait3A_163 = arith.constant 0 : i32
      %dma_wait3A_164 = tpu.memref_slice %arg11[%mul3A_156, %dma_wait3A_163] : memref<10112x16xf32, #tpu.memory_space<vmem_shared>> -> memref<632x16xf32, #tpu.memory_space<vmem_shared>>
      %dma_wait3A_165 = arith.constant 0 : i32
      %dma_wait3A_166 = tpu.memref_slice %arg11[%mul3A_156, %dma_wait3A_165] : memref<10112x16xf32, #tpu.memory_space<vmem_shared>> -> memref<632x16xf32, #tpu.memory_space<vmem_shared>>
      tpu.wait_dma2 semaphore(%run_scoped3A : memref<!tpu.dma_semaphore, #tpu.memory_space<semaphore_mem>>) src(%dma_wait3A_166 : memref<632x16xf32, #tpu.memory_space<vmem_shared>>) dst(%arg10 : memref<632x16xf32, #tpu.memory_space<vmem>>)
      tpu.yield
    }) : () -> ()
    %mul3A_157 = arith.constant 632 : i32
    %mul3A_158 = arith.muli %arg1, %mul3A_157 : i32
    "tpu.region"() ({
      %run_scoped3A = tpu.sem_alloc : memref<!tpu.dma_semaphore, #tpu.memory_space<semaphore_mem>>
      %dma_start3A_159 = arith.constant 0 : i32
      %dma_start3A_160 = tpu.memref_slice %arg5[%arg0, %mul3A_158, %dma_start3A_159] : memref<2x10112x16xf32, #tpu.memory_space<hbm>> -> memref<1x632x16xf32, #tpu.memory_space<hbm>>
      %dma_start3A_161 = tpu.memref_squeeze %dma_start3A_160 : memref<1x632x16xf32, #tpu.memory_space<hbm>> -> memref<632x16xf32, #tpu.memory_space<hbm>>
      %dma_start3A_162 = arith.constant 0 : i32
      %dma_start3A_163 = tpu.memref_slice %arg5[%arg0, %mul3A_158, %dma_start3A_162] : memref<2x10112x16xf32, #tpu.memory_space<hbm>> -> memref<1x632x16xf32, #tpu.memory_space<hbm>>
      %dma_start3A_164 = tpu.memref_squeeze %dma_start3A_163 : memref<1x632x16xf32, #tpu.memory_space<hbm>> -> memref<632x16xf32, #tpu.memory_space<hbm>>
      tpu.enqueue_dma source(%arg10 : memref<632x16xf32, #tpu.memory_space<vmem>>) target(%dma_start3A_164 : memref<632x16xf32, #tpu.memory_space<hbm>>) target_semaphore(%run_scoped3A : memref<!tpu.dma_semaphore, #tpu.memory_space<semaphore_mem>>)
      %dma_wait3A_165 = arith.constant 0 : i32
      %dma_wait3A_166 = tpu.memref_slice %arg5[%arg0, %mul3A_158, %dma_wait3A_165] : memref<2x10112x16xf32, #tpu.memory_space<hbm>> -> memref<1x632x16xf32, #tpu.memory_space<hbm>>
      %dma_wait3A_167 = tpu.memref_squeeze %dma_wait3A_166 : memref<1x632x16xf32, #tpu.memory_space<hbm>> -> memref<632x16xf32, #tpu.memory_space<hbm>>
      %dma_wait3A_168 = arith.constant 0 : i32
      %dma_wait3A_169 = tpu.memref_slice %arg5[%arg0, %mul3A_158, %dma_wait3A_168] : memref<2x10112x16xf32, #tpu.memory_space<hbm>> -> memref<1x632x16xf32, #tpu.memory_space<hbm>>
      %dma_wait3A_170 = tpu.memref_squeeze %dma_wait3A_169 : memref<1x632x16xf32, #tpu.memory_space<hbm>> -> memref<632x16xf32, #tpu.memory_space<hbm>>
      tpu.wait_dma2 semaphore(%run_scoped3A : memref<!tpu.dma_semaphore, #tpu.memory_space<semaphore_mem>>) src(%arg10 : memref<632x16xf32, #tpu.memory_space<vmem>>) dst(%dma_wait3A_170 : memref<632x16xf32, #tpu.memory_space<hbm>>)
      tpu.yield
    }) : () -> ()
    return
  }
}

module attributes {stable_mosaic.version = 14 : i64} {
  func.func @_prep_body(%arg0: memref<10112x128xf32, #tpu.memory_space<vmem>>, %arg1: memref<128x16xf32, #tpu.memory_space<vmem>>, %arg2: memref<10112x1xf32, #tpu.memory_space<vmem>>, %arg3: memref<10112x1xf32, #tpu.memory_space<vmem>>, %arg4: memref<10112x16xf32, #tpu.memory_space<vmem>>, %arg5: memref<10112x1xf32, #tpu.memory_space<vmem>>) attributes {dimension_semantics = [], scalar_prefetch = 0 : i64, scratch_operands = 0 : i64, tpu.core_type = #tpu.core_type<tc>} {
    %get3A = arith.constant 0 : index
    %get3A_0 = arith.constant 0 : index
    %get3A_1 = vector.load %arg2[%get3A, %get3A_0] : memref<10112x1xf32, #tpu.memory_space<vmem>>, vector<10112x1xf32>
    %add3A = arith.constant 1.000000e+00 : f32
    %add3A_2 = vector.broadcast %add3A : f32 to vector<10112x1xf32>
    %add3A_3 = arith.addf %add3A_2, %get3A_1 : vector<10112x1xf32>
    %get3A_4 = arith.constant 0 : index
    %get3A_5 = arith.constant 0 : index
    %get3A_6 = vector.load %arg3[%get3A_4, %get3A_5] : memref<10112x1xf32, #tpu.memory_space<vmem>>, vector<10112x1xf32>
    %add3A_7 = arith.addf %add3A_3, %get3A_6 : vector<10112x1xf32>
    %rsqrt3A = math.rsqrt %add3A_7 : vector<10112x1xf32>
    %get3A_8 = arith.constant 0 : index
    %get3A_9 = arith.constant 0 : index
    %get3A_10 = vector.load %arg0[%get3A_8, %get3A_9] : memref<10112x128xf32, #tpu.memory_space<vmem>>, vector<10112x128xf32>
    %get3A_11 = arith.constant 0 : index
    %get3A_12 = arith.constant 0 : index
    %get3A_13 = vector.load %arg1[%get3A_11, %get3A_12] : memref<128x16xf32, #tpu.memory_space<vmem>>, vector<128x16xf32>
    %dot_general3A = arith.constant dense<0.000000e+00> : vector<10112x16xf32>
    %dot_general3A_14 = tpu.matmul %get3A_10, %get3A_13, %dot_general3A {dimension_numbers = #tpu.dot_dimension_numbers<[1], [0], [0], [1], [0, 0, 1, 1], [], []>, transpose_lhs_hint = false} : vector<10112x128xf32>, vector<128x16xf32>, vector<10112x16xf32> -> vector<10112x16xf32>
    %mul3A = vector.broadcast %rsqrt3A : vector<10112x1xf32> to vector<10112x16xf32>
    %mul3A_15 = arith.mulf %dot_general3A_14, %mul3A : vector<10112x16xf32>
    %swap3A = arith.constant 0 : index
    %swap3A_16 = arith.constant 0 : index
    %swap3A_17 = vector.load %arg4[%swap3A, %swap3A_16] : memref<10112x16xf32, #tpu.memory_space<vmem>>, vector<10112x16xf32>
    tpu.vector_store %arg4[%swap3A, %swap3A_16], %mul3A_15 {strides = array<i32>} : memref<10112x16xf32, #tpu.memory_space<vmem>>, vector<10112x16xf32>,
    %swap3A_18 = arith.constant 0 : index
    %swap3A_19 = arith.constant 0 : index
    %swap3A_20 = vector.load %arg5[%swap3A_18, %swap3A_19] : memref<10112x1xf32, #tpu.memory_space<vmem>>, vector<10112x1xf32>
    tpu.vector_store %arg5[%swap3A_18, %swap3A_19], %rsqrt3A {strides = array<i32>} : memref<10112x1xf32, #tpu.memory_space<vmem>>, vector<10112x1xf32>,
    return
  }
}

module attributes {stable_mosaic.version = 14 : i64} {
  func.func @_head_body(%arg0: memref<10112x16xf32, #tpu.memory_space<vmem>>, %arg1: memref<10112x16xf32, #tpu.memory_space<vmem>>, %arg2: memref<10112x16xf32, #tpu.memory_space<vmem>>, %arg3: memref<10112x1xf32, #tpu.memory_space<vmem>>, %arg4: memref<10112x1xi32, #tpu.memory_space<vmem>>, %arg5: memref<1x16xf32, #tpu.memory_space<vmem>>, %arg6: memref<16x10xf32, #tpu.memory_space<vmem>>, %arg7: memref<1x10xf32, #tpu.memory_space<vmem>>, %arg8: memref<128x10xf32, #tpu.memory_space<vmem>>) attributes {dimension_semantics = [], scalar_prefetch = 0 : i64, scratch_operands = 0 : i64, tpu.core_type = #tpu.core_type<tc>} {
    %get3A = arith.constant 0 : index
    %get3A_0 = arith.constant 0 : index
    %get3A_1 = vector.load %arg0[%get3A, %get3A_0] : memref<10112x16xf32, #tpu.memory_space<vmem>>, vector<10112x16xf32>
    %get3A_2 = arith.constant 0 : index
    %get3A_3 = arith.constant 0 : index
    %get3A_4 = vector.load %arg1[%get3A_2, %get3A_3] : memref<10112x16xf32, #tpu.memory_space<vmem>>, vector<10112x16xf32>
    %add3A = arith.addf %get3A_1, %get3A_4 : vector<10112x16xf32>
    %get3A_5 = arith.constant 0 : index
    %get3A_6 = arith.constant 0 : index
    %get3A_7 = vector.load %arg2[%get3A_5, %get3A_6] : memref<10112x16xf32, #tpu.memory_space<vmem>>, vector<10112x16xf32>
    %add3A_8 = arith.addf %add3A, %get3A_7 : vector<10112x16xf32>
    %get3A_9 = arith.constant 0 : index
    %get3A_10 = arith.constant 0 : index
    %get3A_11 = vector.load %arg3[%get3A_9, %get3A_10] : memref<10112x1xf32, #tpu.memory_space<vmem>>, vector<10112x1xf32>
    %mul3A = vector.broadcast %get3A_11 : vector<10112x1xf32> to vector<10112x16xf32>
    %mul3A_12 = arith.mulf %add3A_8, %mul3A : vector<10112x16xf32>
    %get3A_13 = arith.constant 0 : index
    %get3A_14 = arith.constant 0 : index
    %get3A_15 = vector.load %arg5[%get3A_13, %get3A_14] : memref<1x16xf32, #tpu.memory_space<vmem>>, vector<1x16xf32>
    %add3A_16 = vector.broadcast %get3A_15 : vector<1x16xf32> to vector<10112x16xf32>
    %add3A_17 = arith.addf %mul3A_12, %add3A_16 : vector<10112x16xf32>
    %max3A = arith.constant 0.000000e+00 : f32
    %max3A_18 = vector.broadcast %max3A : f32 to vector<10112x16xf32>
    %max3A_19 = arith.maximumf %add3A_17, %max3A_18 : vector<10112x16xf32>
    %iota3A = tpu.iota {dimensions = array<i32: 1>} : vector<1x128xi32>
    %get3A_20 = arith.constant 0 : index
    %get3A_21 = arith.constant 0 : index
    %get3A_22 = vector.load %arg4[%get3A_20, %get3A_21] : memref<10112x1xi32, #tpu.memory_space<vmem>>, vector<10112x1xi32>
    %eq3A = vector.broadcast %get3A_22 : vector<10112x1xi32> to vector<10112x128xi32>
    %eq3A_23 = vector.broadcast %iota3A : vector<1x128xi32> to vector<10112x128xi32>
    %eq3A_24 = arith.cmpi eq, %eq3A, %eq3A_23 : vector<10112x128xi32>
    %convert_element_type3A = arith.extui %eq3A_24 : vector<10112x128xi1> to vector<10112x128xi32>
    %convert_element_type3A_25 = arith.sitofp %convert_element_type3A : vector<10112x128xi32> to vector<10112x128xf32>
    %dot_general3A = arith.constant dense<0.000000e+00> : vector<128x16xf32>
    %dot_general3A_26 = tpu.matmul %convert_element_type3A_25, %max3A_19, %dot_general3A {dimension_numbers = #tpu.dot_dimension_numbers<[0], [0], [1], [1], [0, 1, 1, 1], [], []>, transpose_lhs_hint = false} : vector<10112x128xf32>, vector<10112x16xf32>, vector<128x16xf32> -> vector<128x16xf32>
    %broadcast_in_dim3A = arith.constant 1.000000e+00 : f32
    %broadcast_in_dim3A_27 = vector.broadcast %broadcast_in_dim3A : f32 to vector<10112x1xf32>
    %dot_general3A_28 = arith.constant dense<0.000000e+00> : vector<128x1xf32>
    %dot_general3A_29 = tpu.matmul %convert_element_type3A_25, %broadcast_in_dim3A_27, %dot_general3A_28 {dimension_numbers = #tpu.dot_dimension_numbers<[0], [0], [1], [1], [0, 1, 1, 1], [], []>, transpose_lhs_hint = false} : vector<10112x128xf32>, vector<10112x1xf32>, vector<128x1xf32> -> vector<128x1xf32>
    %max3A_30 = arith.constant 1.000000e+00 : f32
    %max3A_31 = vector.broadcast %max3A_30 : f32 to vector<128x1xf32>
    %max3A_32 = arith.maximumf %dot_general3A_29, %max3A_31 : vector<128x1xf32>
    %div3A = vector.broadcast %max3A_32 : vector<128x1xf32> to vector<128x16xf32>
    %div3A_33 = arith.divf %dot_general3A_26, %div3A : vector<128x16xf32>
    %get3A_34 = arith.constant 0 : index
    %get3A_35 = arith.constant 0 : index
    %get3A_36 = vector.load %arg6[%get3A_34, %get3A_35] : memref<16x10xf32, #tpu.memory_space<vmem>>, vector<16x10xf32>
    %dot_general3A_37 = arith.constant dense<0.000000e+00> : vector<128x10xf32>
    %dot_general3A_38 = tpu.matmul %div3A_33, %get3A_36, %dot_general3A_37 {dimension_numbers = #tpu.dot_dimension_numbers<[1], [0], [0], [1], [0, 0, 1, 1], [], []>, transpose_lhs_hint = false} : vector<128x16xf32>, vector<16x10xf32>, vector<128x10xf32> -> vector<128x10xf32>
    %get3A_39 = arith.constant 0 : index
    %get3A_40 = arith.constant 0 : index
    %get3A_41 = vector.load %arg7[%get3A_39, %get3A_40] : memref<1x10xf32, #tpu.memory_space<vmem>>, vector<1x10xf32>
    %add3A_42 = vector.broadcast %get3A_41 : vector<1x10xf32> to vector<128x10xf32>
    %add3A_43 = arith.addf %dot_general3A_38, %add3A_42 : vector<128x10xf32>
    %swap3A = arith.constant 0 : index
    %swap3A_44 = arith.constant 0 : index
    %swap3A_45 = vector.load %arg8[%swap3A, %swap3A_44] : memref<128x10xf32, #tpu.memory_space<vmem>>, vector<128x10xf32>
    tpu.vector_store %arg8[%swap3A, %swap3A_44], %add3A_43 {strides = array<i32>} : memref<128x10xf32, #tpu.memory_space<vmem>>, vector<128x10xf32>,
    return
  }
}

</mosaic_0001>

<sc_bundles>
// kernel: kernel.6.cloned.1.call-start
scs
__scs_entry_jumppad:
0x0: {  	(pc) =	sbr.rel $0x88, $3  }
0x1: {  	(tag) =	ssettag $0x0;
	lr =	simm.s32 $0x1  }
0x2: {  	[smem:$0x3F9A] =	sst lr;
	_ =	strace $0xD0000000  }
0x3: {  	_ = 	snop  }
0x4: {  	_ = 	snop  }
0x5: {  	_ = 	snop  }
0x6: {  	_ = 	snop  }
0x7: {  	_ = 	snop  }
__scs_overlays_trampoline_lowered:
0x8: {  	[smem:$0x3FA9] =	sst s0  }
0x9: {  	[smem:$0x3FAA] =	sst s1  }
0xa: {  	[smem:$0x3FAB] =	sst s2  }
0xb: {  	[smem:$0x3FAC] =	sst s3  }
0xc: {  	[smem:$0x3FAD] =	sst s4  }
0xd: {  	[smem:$0x3FAE] =	sst s5  }
0xe: {  	[smem:$0x3FAF] =	sst s6  }
0xf: {  	[smem:$0x3FB0] =	sst s7  }
0x10: {  	[smem:$0x3FB1] =	sst s8  }
0x11: {  	[smem:$0x3FB2] =	sst s9;
	s0 =	simm.s32 @!p0 $0x0  }
0x12: {  	s1 =	sld [smem:$0x3F98];
	s0 =	simm.s32 @p0 $0x1  }
0x13: {  	[smem:$0x3FB3] =	sst s0;
	s0 =	simm.s32 @!p1 $0x0  }
0x14: {  	s2 =	sld [smem:$0x3F97];
	s0 =	simm.s32 @p1 $0x1  }
0x15: {  	[smem:$0x3FB4] =	sst s0;
	s0 =	simm.s32 @!p2 $0x0  }
0x16: {  	s3 =	sld [smem:$0x3FDB];
	s0 =	simm.s32 @p2 $0x1  }
0x17: {  	s4 =	simm.s32 $0x1BF5;
	[smem:$0x3FB6] =	sst s0  }
0x18: {  	s0 =	sld [smem:$0x3F99];
	_ =	swait.ge [sflag:s4], $0x0  }
0x19: {  	s7 =	sld [smem:$0x3F9A]  }
0x1a: {  	s8 =	sadd.s32 $0xFFFFE003, lr  }
0x1b: {  	s9 =	sadd.s32 $0xFFFFFEF7, lr;
	s5 =	simm.s32 $0xFFFFFFFF;
	p2 =	slt.u32 s8, $0xFFFFF086  }
0x1c: {  	p1 =	slt.u32 s9, $0xF7A;
	s5 =	simm.s32 @!p2 $0x0  }
0x1d: {  	s5 =	simm.s32 @p1 $0x1;
	p0 =	seq.s32 s7, s2  }
0x1e: {  	s7 =	smul.u32 @!p0 $0xF7A, s2;
	p2 =	seq.s32 @!p0 s5, $0x0  }
0x1f: {  	s9 =	smul.u32 $0xF7A, s1;
	s8 =	simm.s32 @!p0 $0x1BF5;
	p2 =	por !p2, p0  }
0x20: {  	[sflag:s8] =	ssyncset.s32 @!p0 $0xFFFFF086;
	s6 =	sadd.s32 @!p0 s3, s7;
	s7 =	simm.s32 @!p0 $0x108  }
0x21: {  	s3 =	sadd.s32 s3, s9;
	s6 =	sadd.s32 @!p0 $0x88, s6;
	s7 =	simm.s32 @p2 $0x1082  }
0x22: {  	[simem:s7], [sflag:s8] =	dma.local @!p0 [hbm:s6], $0xF7A  }
0x23: {  	s9 =	sor.u32 $0xD0000000, s2;
	s6 =	simm.s32 $0x108;
	_ =	swait.ge @!p0 [sflag:s8], $0x0  }
0x24: {  	s3 =	sadd.s32 $0x88, s3;
	s6 =	simm.s32 @!p1 $0x1082;
	[sflag:s4] =	ssyncset.s32 $0xFFFFF086  }
0x25: {  	[simem:s6], [sflag:s4] =	dma.local [hbm:s3], $0xF7A  }
0x26: {  	[smem:$0x3F9A] =	sst s1;
	(tag) =	ssettag s2;
	_ =	strace s9  }
0x27: {  	s1 =	sld [smem:$0x3FAA]  }
0x28: {  	s2 =	sld [smem:$0x3FAB]  }
0x29: {  	s4 =	sld [smem:$0x3FAD]  }
0x2a: {  	p0 =	seq.s32 s5, $0x0;
	s5 =	sld [smem:$0x3FAE]  }
0x2b: {  	s6 =	sld [smem:$0x3FAF]  }
0x2c: {  	s7 =	sld [smem:$0x3FB0]  }
0x2d: {  	s3 =	simm.s32 $0x108;
	s8 =	sld [smem:$0x3FB1]  }
0x2e: {  	s3 =	simm.s32 @!p0 $0x1082;
	s9 =	sld [smem:$0x3FB2]  }
0x2f: {  	lr =	sadd.s32 s0, s3;
	s0 =	sld [smem:$0x3FA9]  }
0x30: {  	s3 =	sld [smem:$0x3FAC]  }
0x31: {  	[smem:$0x3FB5] =	sst s10  }
0x32: {  	s10 =	sld [smem:$0x3FB3];
	_ =	sdelay $0x3  }
0x33: {  	p0 =	seq.s32 s10, $0x1;
	s10 =	sld [smem:$0x3FB5];
	_ =	sdelay $0x3  }
0x34: {  	[smem:$0x3FB5] =	sst s10  }
0x35: {  	s10 =	sld [smem:$0x3FB4];
	_ =	sdelay $0x3  }
0x36: {  	p1 =	seq.s32 s10, $0x1;
	s10 =	sld [smem:$0x3FB5];
	_ =	sdelay $0x3  }
0x37: {  	[smem:$0x3FB5] =	sst s10  }
0x38: {  	s10 =	sld [smem:$0x3FB6]  }
0x39: {  	_ = 	snop;
	(pc) =	sbr.ind lr, $3  }
0x3a: {  	_ = 	snop  }
0x3b: {  	_ = 	snop  }
0x3c: {  	p2 =	seq.s32 s10, $0x1;
	s10 =	sld [smem:$0x3FB5]  }
0x3d: {  	_ =	shalt  }
0x3e: {  	_ =	shalt  }
0x3f: {  	_ =	shalt  }
0x40: {  	_ =	shalt  }
0x41: {  	_ =	shalt  }
0x42: {  	_ =	shalt  }
0x43: {  	_ =	shalt  }
0x44: {  	_ =	shalt  }
0x45: {  	_ =	shalt  }
0x46: {  	_ =	shalt  }
0x47: {  	_ =	shalt  }
0x48: {  	_ =	shalt  }
0x49: {  	_ =	shalt  }
0x4a: {  	_ =	shalt  }
0x4b: {  	_ =	shalt  }
0x4c: {  	_ =	shalt  }
0x4d: {  	_ =	shalt  }
0x4e: {  	_ =	shalt  }
0x4f: {  	_ =	shalt  }
0x50: {  	_ =	shalt  }
0x51: {  	_ =	shalt  }
0x52: {  	_ =	shalt  }
0x53: {  	_ =	shalt  }
0x54: {  	_ =	shalt  }
0x55: {  	_ =	shalt  }
0x56: {  	_ =	shalt  }
0x57: {  	_ =	shalt  }
0x58: {  	_ =	shalt  }
0x59: {  	_ =	shalt  }
0x5a: {  	_ =	shalt  }
0x5b: {  	_ =	shalt  }
0x5c: {  	_ =	shalt  }
0x5d: {  	_ =	shalt  }
0x5e: {  	_ =	shalt  }
0x5f: {  	_ =	shalt  }
0x60: {  	_ =	shalt  }
0x61: {  	_ =	shalt  }
0x62: {  	_ =	shalt  }
0x63: {  	_ =	shalt  }
0x64: {  	_ =	shalt  }
0x65: {  	_ =	shalt  }
0x66: {  	_ =	shalt  }
0x67: {  	_ =	shalt  }
0x68: {  	_ =	shalt  }
0x69: {  	_ =	shalt  }
0x6a: {  	_ =	shalt  }
0x6b: {  	_ =	shalt  }
0x6c: {  	_ =	shalt  }
0x6d: {  	_ =	shalt  }
0x6e: {  	_ =	shalt  }
0x6f: {  	_ =	shalt  }
0x70: {  	_ =	shalt  }
0x71: {  	_ =	shalt  }
0x72: {  	_ =	shalt  }
0x73: {  	_ =	shalt  }
0x74: {  	_ =	shalt  }
0x75: {  	_ =	shalt  }
0x76: {  	_ =	shalt  }
0x77: {  	_ =	shalt  }
0x78: {  	_ =	shalt  }
0x79: {  	_ =	shalt  }
0x7a: {  	_ =	shalt  }
0x7b: {  	_ =	shalt  }
0x7c: {  	_ =	shalt  }
0x7d: {  	_ =	shalt  }
0x7e: {  	_ =	shalt  }
0x7f: {  	_ =	shalt  }
0x80: {  	_ =	shalt  }
0x81: {  	_ =	shalt  }
0x82: {  	_ =	shalt  }
0x83: {  	_ =	shalt  }
0x84: {  	_ =	shalt  }
0x85: {  	_ =	shalt  }
0x86: {  	_ =	shalt  }
0x87: {  	_ =	shalt  }
.Lfunc_end0:
.L_simem_size_0:
called_computation_lowered:
.L_overlay_start_0:
0x88: {  	s2 =	sld [smem:$0x3FD9]  }
0x89: {  	s3 =	sld [smem:$0x3FFE];
	_ =	sdelay $0x1  }
0x8a: {  	s1 =	srdreg.scid  }
0x8b: {  	s0 =	sand.u32 $0x1, s1  }
0x8c: {  	s16 =	sshll.u32 s0, $0xA;
	s2 =	sadd.s32 s3, s2  }
0x8d: {  	s2 =	sadd.s32 s2, s16  }
0x8e: {  	[smem:$0x3FC1] =	sst s2  }
0x8f: {  	_ = 	snop  }
0x90: {  	(tm) =	ssettm $0x1  }
0x91: {  	s17 =	sld [smem:$0x3FFB];
	_ =	sdelay $0x3  }
0x92: {  	_ =	strace s17  }
0x93: {  	s2 =	sld [smem:$0x3FFC];
	_ =	sdelay $0x3  }
0x94: {  	_ =	strace s2  }
0x95: {  	s2 =	sld [smem:$0x3FFD];
	_ =	sdelay $0x3  }
0x96: {  	_ =	strace s2  }
0x97: {  	_ =	strace $0x8FFFFFFF  }
0x98: {  	s18 =	sld [smem:$0x3FDB];
	_ =	sdelay $0x1  }
0x99: {  	s19 =	simm.s32 $_scs_section_size  }
0x9a: {  	s4 =	simm.s32 $_size__tile_overlayer_lowered;
	s5 =	simm.s32 $_tile_overlayer_lowered  }
0x9b: {  	s22 =	simm.s32 $0x1BFF;
	s21 =	sshll.u32 s5, $0x1;
	s2 =	sadd.s32 s19, s18  }
0x9c: {  	s6 =	simm.s32 $0x0;
	s20 =	sshll.u32 s4, $0x1;
	s4 =	sadd.s32 s21, s2  }
0x9d: {  	[timem:s6], [sflag:s22] =	dma.local [hbm:s4], s20  }
0x9e: {  	_ =	swait.ge [sflag:s22], s20  }
0x9f: {  	s3 =	ssub.s32 $0x0, s20;
	[sflag:s22] =	ssyncset.done $0x0  }
0xa0: {  	[sflag:s22] =	ssyncadd.s32 s3;
	_ =	sdelay $0x1  }
0xa1: {  	s23 =	simm.s32 $0x1B8B  }
0xa2: {  	_ =	swait.ge [sflag:s23], $0x1  }
0xa3: {  	[sflag:s23] =	ssyncset.done $0x0  }
0xa4: {  	s25 =	simm.s32 $0x1B8E;
	s24 =	sld [smem:$0x3FFE];
	[sflag:s23] =	ssyncadd.s32 $0xFFFFFFFF  }
0xa5: {  	s26 =	simm.s32 $execute0_lowered;
	[smem:$0x3FD2] =	sst s25  }
0xa6: {  	s4 =	sshll.u32 s26, $0x1;
	_ =	strace $0x80000046;
	[dreg:$0x1] =	wrdreg $0xFFFFFFFF  }
0xa7: {  	s28 =	simm.s32 $_size_execute0_lowered;
	s2 =	sadd.s32 s2, s4;
	[dreg:$0x0] =	wrdreg $0x0  }
0xa8: {  	s4 =	sshll.u32 s28, $0x1;
	[dreg:$0x2] =	wrdreg s2  }
0xa9: {  	[dreg:$0x3] =	wrdreg s4  }
0xaa: {  	[dreg:$0x4] =	wrdreg $0xC0  }
0xab: {  	_ =	task [dreg:s6], $0x5FFFF  }
0xac: {  	[dreg:$0x1] =	wrdreg $0xFFFFFFFF  }
0xad: {  	[dreg:$0x0] =	wrdreg $0x60  }
0xae: {  	[dreg:$0x2] =	wrdreg s24  }
0xaf: {  	[dreg:$0x3] =	wrdreg $0x2AF80  }
0xb0: {  	[dreg:$0x4] =	wrdreg $0x9  }
0xb1: {  	_ =	task.clear_ibuf [dreg:s6], $0x5FFFF;
	_ =	strace $0x90000046  }
0xb2: {  	s29 =	simm.s32 $0x9;
	_ =	strace $0x80000048  }
0xb3: {  	_ =	swait.ge [sflag:s29], $0x1  }
0xb4: {  	[sflag:s29] =	ssyncadd.s32 $0xFFFFFFFF  }
0xb5: {  	_ =	strace $0x90000048  }
0xb6: {  	_ =	sfence  }
0xb7: {  	s30 =	sld [smem:$0x0];
	_ =	sdelay $0x2  }
0xb8: {  	s31 =	sshll.u32 s1, $0xD;
	s1 =	sshrl.u32 s1, $0x2  }
0xb9: {  	s3 =	sand.u32 $0x4000, s31;
	s1 =	sadd.s32 s1, s30  }
0xba: {  	s0 =	sor.u32 s3, s0;
	s1 =	sshll.u32 s1, $0x11  }
0xbb: {  	s0 =	sor.u32 s1, s0  }
0xbc: {  	s0 =	sadd.s32 $0x8F2B, s0  }
0xbd: {  	[sflag:s0] =	ssyncadd.remote.s32 $0x1  }
0xbe: {  	_ =	sfence.sel $0xFFFF  }
0xbf: {  	[dreg:$0x0] =	wrdreg $0xFFFFFFFF;
	(pc) =	sbr.abs _section_cstart, $3  }
0xc0: {  	[dreg:$0x1] =	wrdreg $0xFFFFFFFF  }
0xc1: {  	_ =	task.clear_ibuf [dreg:s6], $0x2FFFF;
	_ =	strace $0x9FFFFFFF  }
0xc2: {  	(tm) =	ssettm $0x7FFFFFFF  }
0xc3: {  	_ =	shalt  }
tec
execute0_lowered:
.L_overlay_start_1:
0x0: {  	(tag) =	ssettag $0x1  }
0x1: {  	s4 =	rddreg [dreg:$0x0]  }
0x2: {  	s2 =	rddreg [dreg:$0x1];
	s3 =	srdreg.scid  }
0x3: {  	s1 =	stileid.u32;
	s0 =	rddreg [dreg:$0x2];
	s10 =	simm.s32 $0x80  }
0x4: {  	s11 =	simm.s32 $0x2800;
	s12 =	simm.s32 $0x100;
	s13 =	simm.s32 $0x180  }
0x5: {  	s14 =	simm.s32 $0x200;
	s15 =	simm.s32 $0x280;
	s16 =	simm.s32 $0x300  }
0x6: {  	s17 =	simm.s32 $0x380;
	s18 =	simm.s32 $0x400;
	s19 =	simm.s32 $0x480  }
0x7: {  	s20 =	simm.s32 $0x500;
	s21 =	simm.s32 $0x580;
	s22 =	simm.s32 $0x600  }
0x8: {  	s23 =	simm.s32 $0x680;
	s24 =	simm.s32 $0x700;
	s25 =	simm.s32 $0x780  }
0x9: {  	s26 =	simm.s32 $0x1;
	s5 =	sand.u32 $0x1, s3;
	s6 =	smul.u32 $0x278, s1  }
0xa: {  	s3 =	simm.s32 $0x0;
	s7 =	sshll.u32 s5, $0x4;
	s8 =	smul.u32 $0x2780, s5  }
0xb: {  	s28 =	simm.s32 $0x0;
	[smem:$0x7FF] =	sst s3;
	s7 =	sor.u32 s1, s7  }
0xc: {  	s5 =	ssub.s32 $0x2, s5;
	s7 =	smul.u32 $0x500, s7;
	s8 =	sadd.s32 s6, s8  }
0xd: {  	_ =	strace $0x80000047;
	s9 =	sshrl.u32 s5, $0x1;
	s8 =	sshrl.u32 s8, $0x3  }
0xe: {  	s9 =	ssub.s32 s5, s9;
	s7 =	sadd.s32 s7, s4;
	s8 =	sadd.s32 s8, s4  }
0xf: {  	s4 =	sadd.s32 s6, s2;
	s5 =	sadd.s32 $0x1800, s7;
	s6 =	sadd.s32 $0xB800, s8  }
0x10: {  	v0 =	vimm.f32 $1.000000000e+00;
	v1 =	vimm.f32 $0.0e+00;
	s7 =	smax.u32 s9, $0x1;
	s8 =	simm.s32 $0x2880;
	s9 =	simm.s32 $0x2  }
.LBB2_1:
0x11: {  	[tilespmem:$0x2800] =	vst v0  }
0x12: {  	[tilespmem:$0x2810] =	vst v0  }
0x13: {  	[tilespmem:$0x2820] =	vst v0  }
0x14: {  	[tilespmem:$0x2830] =	vst v0  }
0x15: {  	[tilespmem:$0x2840] =	vst v0  }
0x16: {  	[tilespmem:$0x2850] =	vst v0  }
0x17: {  	[tilespmem:$0x2860] =	vst v0  }
0x18: {  	[tilespmem:$0x2870] =	vst v0  }
0x19: {  	[tilespmem:$0x2880] =	vst v1  }
0x1a: {  	[tilespmem:$0x2890] =	vst v1  }
0x1b: {  	[tilespmem:$0x28A0] =	vst v1  }
0x1c: {  	[tilespmem:$0x28B0] =	vst v1  }
0x1d: {  	[tilespmem:$0x28C0] =	vst v1  }
0x1e: {  	[tilespmem:$0x28D0] =	vst v1  }
0x1f: {  	[tilespmem:$0x28E0] =	vst v1  }
0x20: {  	[tilespmem:$0x28F0] =	vst v1  }
0x21: {  	[tilespmem:$0x2900] =	vst v1  }
0x22: {  	[tilespmem:$0x2910] =	vst v1  }
0x23: {  	[tilespmem:$0x2920] =	vst v1  }
0x24: {  	[tilespmem:$0x2930] =	vst v1  }
0x25: {  	[tilespmem:$0x2940] =	vst v1  }
0x26: {  	[tilespmem:$0x2950] =	vst v1  }
0x27: {  	[tilespmem:$0x2960] =	vst v1  }
0x28: {  	[tilespmem:$0x2970] =	vst v1  }
0x29: {  	[tilespmem:$0x2980] =	vst v1  }
0x2a: {  	[tilespmem:$0x2990] =	vst v1  }
0x2b: {  	[tilespmem:$0x29A0] =	vst v1  }
0x2c: {  	[tilespmem:$0x29B0] =	vst v1  }
0x2d: {  	[tilespmem:$0x29C0] =	vst v1  }
0x2e: {  	[tilespmem:$0x29D0] =	vst v1  }
0x2f: {  	[tilespmem:$0x29E0] =	vst v1  }
0x30: {  	[tilespmem:$0x29F0] =	vst v1  }
0x31: {  	[tilespmem:$0x2A00] =	vst v1  }
0x32: {  	[tilespmem:$0x2A10] =	vst v1  }
0x33: {  	[tilespmem:$0x2A20] =	vst v1  }
0x34: {  	[tilespmem:$0x2A30] =	vst v1  }
0x35: {  	[tilespmem:$0x2A40] =	vst v1  }
0x36: {  	[tilespmem:$0x2A50] =	vst v1  }
0x37: {  	[tilespmem:$0x2A60] =	vst v1  }
0x38: {  	[tilespmem:$0x2A70] =	vst v1  }
0x39: {  	[tilespmem:$0x2A80] =	vst v1  }
0x3a: {  	[tilespmem:$0x2A90] =	vst v1  }
0x3b: {  	[tilespmem:$0x2AA0] =	vst v1  }
0x3c: {  	[tilespmem:$0x2AB0] =	vst v1  }
0x3d: {  	[tilespmem:$0x2AC0] =	vst v1  }
0x3e: {  	[tilespmem:$0x2AD0] =	vst v1  }
0x3f: {  	[tilespmem:$0x2AE0] =	vst v1  }
0x40: {  	[spmem:s4] =	stream.linear.scatter [tilespmem:s8], [sflag:$0x2], $0x278, $0x38;
	[tilespmem:$0x2D70] =	vst v63  }
0x41: {  	_ =	swait.ge [sflag:s9], $0x278  }
0x42: {  	[sflag:s9] =	ssyncset.done $0x0  }
0x43: {  	[sflag:s9] =	ssyncadd.s32 $0xFFFFFD88  }
0x44: {  	[tilespmem:s3], [sflag:$0x2] =	stream.linear.gather [hbm4b:s5+s3], $0x2800, $0x38;
	[tilespmem:$0x2D70] =	vst v63  }
0x45: {  	_ =	swait.ge [sflag:s9], $0x2800  }
0x46: {  	[sflag:s9] =	ssyncset.done $0x0  }
0x47: {  	[sflag:s9] =	ssyncadd.s32 $0xFFFFD800  }
0x48: {  	[bflag:$0x0] =	sbarrier.arrive $0xFFFF  }
0x49: {  	[spmem:s2] =	stream.indirect.scatter.add.f32 [tilespmem:s11], [sflag:$0x1], $0x1, s3, s10, $0xb8;
	[tilespmem:$0x2D70] =	vst v63  }
0x4a: {  	_ = 	snop  }
0x4b: {  	[spmem:s2] =	stream.indirect.scatter.add.f32 [tilespmem:s11], [sflag:$0x1], $0x1, s10, s10, $0xb8;
	[tilespmem:$0x2D70] =	vst v63  }
0x4c: {  	_ = 	snop  }
0x4d: {  	[spmem:s2] =	stream.indirect.scatter.add.f32 [tilespmem:s11], [sflag:$0x1], $0x1, s12, s10, $0xb8;
	[tilespmem:$0x2D70] =	vst v63  }
0x4e: {  	_ = 	snop  }
0x4f: {  	[spmem:s2] =	stream.indirect.scatter.add.f32 [tilespmem:s11], [sflag:$0x1], $0x1, s13, s10, $0xb8;
	[tilespmem:$0x2D70] =	vst v63  }
0x50: {  	_ = 	snop  }
0x51: {  	[spmem:s2] =	stream.indirect.scatter.add.f32 [tilespmem:s11], [sflag:$0x1], $0x1, s14, s10, $0xb8;
	[tilespmem:$0x2D70] =	vst v63  }
0x52: {  	_ = 	snop  }
0x53: {  	[spmem:s2] =	stream.indirect.scatter.add.f32 [tilespmem:s11], [sflag:$0x1], $0x1, s15, s10, $0xb8;
	[tilespmem:$0x2D70] =	vst v63  }
0x54: {  	_ = 	snop  }
0x55: {  	[spmem:s2] =	stream.indirect.scatter.add.f32 [tilespmem:s11], [sflag:$0x1], $0x1, s16, s10, $0xb8;
	[tilespmem:$0x2D70] =	vst v63  }
0x56: {  	_ = 	snop  }
0x57: {  	[spmem:s2] =	stream.indirect.scatter.add.f32 [tilespmem:s11], [sflag:$0x1], $0x1, s17, s10, $0xb8;
	[tilespmem:$0x2D70] =	vst v63  }
0x58: {  	_ = 	snop  }
0x59: {  	[spmem:s2] =	stream.indirect.scatter.add.f32 [tilespmem:s11], [sflag:$0x1], $0x1, s18, s10, $0xb8;
	[tilespmem:$0x2D70] =	vst v63  }
0x5a: {  	_ = 	snop  }
0x5b: {  	[spmem:s2] =	stream.indirect.scatter.add.f32 [tilespmem:s11], [sflag:$0x1], $0x1, s19, s10, $0xb8;
	[tilespmem:$0x2D70] =	vst v63  }
0x5c: {  	_ = 	snop  }
0x5d: {  	[spmem:s2] =	stream.indirect.scatter.add.f32 [tilespmem:s11], [sflag:$0x1], $0x1, s20, s10, $0xb8;
	[tilespmem:$0x2D70] =	vst v63  }
0x5e: {  	_ = 	snop  }
0x5f: {  	[spmem:s2] =	stream.indirect.scatter.add.f32 [tilespmem:s11], [sflag:$0x1], $0x1, s21, s10, $0xb8;
	[tilespmem:$0x2D70] =	vst v63  }
0x60: {  	_ = 	snop  }
0x61: {  	[spmem:s2] =	stream.indirect.scatter.add.f32 [tilespmem:s11], [sflag:$0x1], $0x1, s22, s10, $0xb8;
	[tilespmem:$0x2D70] =	vst v63  }
0x62: {  	_ = 	snop  }
0x63: {  	[spmem:s2] =	stream.indirect.scatter.add.f32 [tilespmem:s11], [sflag:$0x1], $0x1, s23, s10, $0xb8;
	[tilespmem:$0x2D70] =	vst v63  }
0x64: {  	_ = 	snop  }
0x65: {  	[spmem:s2] =	stream.indirect.scatter.add.f32 [tilespmem:s11], [sflag:$0x1], $0x1, s24, s10, $0xb8;
	[tilespmem:$0x2D70] =	vst v63  }
0x66: {  	_ = 	snop  }
0x67: {  	[spmem:s2] =	stream.indirect.scatter.add.f32 [tilespmem:s11], [sflag:$0x1], $0x1, s25, s10, $0xb8;
	[tilespmem:$0x2D70] =	vst v63  }
0x68: {  	_ =	swait.ge [sflag:s26], $0x80  }
0x69: {  	[sflag:s26] =	ssyncset.done $0x0  }
0x6a: {  	s29 =	simm.s32 $0x200;
	s30 =	simm.s32 $0x800;
	[sflag:s26] =	ssyncadd.s32 $0xFFFFFF80  }
.LBB2_2:
0x6b: {  	[spmem:s2] =	stream.indirect.scatter.add.f32 [tilespmem:s11], [sflag:$0x1], $0x1, s30, s10, $0xb8;
	[tilespmem:$0x2D70] =	vst v63  }
0x6c: {  	s30 =	smov.u32 s29;
	p0 =	sne.s32 s29, $0x7E00  }
.Ltmp0:
0x6d: {  	s29 =	sadd.s32 $0x200, s29;
	(pc) =	sbr.rel @p0 .LBB2_2-.Ltmp0, $4  }
0x6e: {  	_ = 	snop  }
0x6f: {  	_ =	swait.ge [sflag:s26], $0x80  }
0x70: {  	s30 =	sshra.s32 s30, $0x2;
	[sflag:s26] =	ssyncset.done $0x0  }
0x71: {  	s30 =	sadd.s32 $0x800, s30;
	[sflag:s26] =	ssyncadd.s32 $0xFFFFFF80  }
0x72: {  	[spmem:s2] =	stream.indirect.scatter.add.f32 [tilespmem:s11], [sflag:$0x1], $0x1, s30, s10, $0xb8;
	[tilespmem:$0x2D70] =	vst v63  }
0x73: {  	_ =	swait.ge [sflag:s26], $0x80  }
0x74: {  	[sflag:s26] =	ssyncset.done $0x0  }
0x75: {  	[sflag:s26] =	ssyncadd.s32 $0xFFFFFF80  }
0x76: {  	_ =	swait.ge [sflag:s26], $0x80  }
0x77: {  	[sflag:s26] =	ssyncset.done $0x0  }
0x78: {  	[sflag:s26] =	ssyncadd.s32 $0xFFFFFF80  }
0x79: {  	_ =	swait.ge [sflag:s26], $0x80  }
0x7a: {  	[sflag:s26] =	ssyncset.done $0x0  }
0x7b: {  	[sflag:s26] =	ssyncadd.s32 $0xFFFFFF80  }
0x7c: {  	_ =	swait.ge [sflag:s26], $0x80  }
0x7d: {  	[sflag:s26] =	ssyncset.done $0x0  }
0x7e: {  	[sflag:s26] =	ssyncadd.s32 $0xFFFFFF80  }
0x7f: {  	_ =	swait.ge [sflag:s26], $0x80  }
0x80: {  	[sflag:s26] =	ssyncset.done $0x0  }
0x81: {  	[sflag:s26] =	ssyncadd.s32 $0xFFFFFF80  }
0x82: {  	_ =	swait.ge [sflag:s26], $0x80  }
0x83: {  	[sflag:s26] =	ssyncset.done $0x0  }
0x84: {  	[sflag:s26] =	ssyncadd.s32 $0xFFFFFF80  }
0x85: {  	_ =	swait.ge [sflag:s26], $0x80  }
0x86: {  	[sflag:s26] =	ssyncset.done $0x0  }
0x87: {  	[sflag:s26] =	ssyncadd.s32 $0xFFFFFF80  }
0x88: {  	_ =	swait.ge [sflag:s26], $0x80  }
0x89: {  	[sflag:s26] =	ssyncset.done $0x0  }
0x8a: {  	[sflag:s26] =	ssyncadd.s32 $0xFFFFFF80  }
0x8b: {  	_ =	swait.ge [sflag:s26], $0x80  }
0x8c: {  	[sflag:s26] =	ssyncset.done $0x0  }
0x8d: {  	[sflag:s26] =	ssyncadd.s32 $0xFFFFFF80  }
0x8e: {  	_ =	swait.ge [sflag:s26], $0x80  }
0x8f: {  	[sflag:s26] =	ssyncset.done $0x0  }
0x90: {  	[sflag:s26] =	ssyncadd.s32 $0xFFFFFF80  }
0x91: {  	_ =	swait.ge [sflag:s26], $0x80  }
0x92: {  	[sflag:s26] =	ssyncset.done $0x0  }
0x93: {  	[sflag:s26] =	ssyncadd.s32 $0xFFFFFF80  }
0x94: {  	_ =	swait.ge [sflag:s26], $0x80  }
0x95: {  	[sflag:s26] =	ssyncset.done $0x0  }
0x96: {  	[sflag:s26] =	ssyncadd.s32 $0xFFFFFF80  }
0x97: {  	_ =	swait.ge [sflag:s26], $0x80  }
0x98: {  	[sflag:s26] =	ssyncset.done $0x0  }
0x99: {  	[sflag:s26] =	ssyncadd.s32 $0xFFFFFF80  }
0x9a: {  	_ =	swait.ge [sflag:s26], $0x80  }
0x9b: {  	[sflag:s26] =	ssyncset.done $0x0  }
0x9c: {  	[sflag:s26] =	ssyncadd.s32 $0xFFFFFF80  }
0x9d: {  	_ =	swait.ge [sflag:s26], $0x80  }
0x9e: {  	[sflag:s26] =	ssyncset.done $0x0  }
0x9f: {  	[sflag:s26] =	ssyncadd.s32 $0xFFFFFF80  }
0xa0: {  	_ =	swait.ge [sflag:s26], $0x80  }
0xa1: {  	[sflag:s26] =	ssyncset.done $0x0  }
0xa2: {  	[sflag:s26] =	ssyncadd.s32 $0xFFFFFF80  }
0xa3: {  	[bflag:$0x0] =	sbarrier.arrive $0xFFFF  }
0xa4: {  	[tilespmem:s8], [sflag:$0x2] =	stream.linear.gather [spmem:s4], $0x278, $0x38;
	[tilespmem:$0x2D70] =	vst v63  }
0xa5: {  	s28 =	sadd.s32 $0x1, s28;
	_ =	swait.ge [sflag:s9], $0x278  }
0xa6: {  	p0 =	sne.s32 s28, s7;
	[sflag:s9] =	ssyncset.done $0x0  }
.Ltmp1:
0xa7: {  	[sflag:s9] =	ssyncadd.s32 $0xFFFFFD88;
	(pc) =	sbr.rel @p0 .LBB2_1-.Ltmp1, $4  }
0xa8: {  	[hbm4b:s6+s3] =	stream.linear.scatter [tilespmem:s8], [sflag:$0x2], $0x278, $0x38;
	[tilespmem:$0x2D70] =	vst v63  }
0xa9: {  	_ =	swait.ge [sflag:s9], $0x278  }
0xaa: {  	[sflag:s9] =	ssyncset.done $0x0  }
0xab: {  	[sflag:s9] =	ssyncadd.s32 $0xFFFFFD88  }
0xac: {  	_ =	sfence.sel $0x180000  }
0xad: {  	[bflag:$0x0] =	sbarrier.arrive $0xFFFF  }
0xae: {  	p0 =	sne.s32 s1, $0x0;
	_ =	strace $0x90000047  }
0xaf: {  	s0 =	sadd.s32 @!p0 $0x100000, s0;
	[bflag:$0x2] =	sbarrier.arrive $0xFFFF  }
0xb0: {  	[sflag:s0] =	ssyncadd.tile.s32 @!p0 $0x1;
	_ =	shalt  }
.Lfunc_end2:
_tile_overlayer_lowered:
.L_overlay_start_2:
0xb1: {  	(tag) =	ssettag $0x2  }
0xb2: {  	s0 =	rddreg [dreg:$0x0];
	s2 =	stileid.u32  }
0xb3: {  	s1 =	rddreg [dreg:$0x1];
	p0 =	sne.s32 s2, $0x0  }
0xb4: {  	s3 =	rddreg [dreg:$0x2];
	[bflag:$0x3] =	sbarrier.arrive $0xFFFF;
	s2 =	simm.s32 @!p0 $0x1C02  }
0xb5: {  	[timem:s3], [sflag:s2] =	dma.local @!p0 [hbm:s0], s1  }
0xb6: {  	s0 =	simm.s32 @!p0 $0x2  }
0xb7: {  	_ =	swait.ge @!p0 [sflag:s0], s1  }
0xb8: {  	s1 =	ssub.s32 @!p0 $0x0, s1;
	[sflag:s0] =	ssyncset.done @!p0 $0x0  }
0xb9: {  	[sflag:s0] =	ssyncadd.s32 @!p0 s1  }
0xba: {  	[bflag:$0x3] =	sbarrier.arrive $0xFFFF  }
0xbb: {  	_ =	shalt  }

// kernel: kernel.9.cloned.1.call-start
scs
__scs_entry_jumppad:
0x0: {  	(pc) =	sbr.rel $0x88, $3  }
0x1: {  	(tag) =	ssettag $0x0;
	lr =	simm.s32 $0x1  }
0x2: {  	[smem:$0x3F9A] =	sst lr;
	_ =	strace $0xD0000000  }
0x3: {  	_ = 	snop  }
0x4: {  	_ = 	snop  }
0x5: {  	_ = 	snop  }
0x6: {  	_ = 	snop  }
0x7: {  	_ = 	snop  }
__scs_overlays_trampoline_lowered:
0x8: {  	[smem:$0x3FA9] =	sst s0  }
0x9: {  	[smem:$0x3FAA] =	sst s1  }
0xa: {  	[smem:$0x3FAB] =	sst s2  }
0xb: {  	[smem:$0x3FAC] =	sst s3  }
0xc: {  	[smem:$0x3FAD] =	sst s4  }
0xd: {  	[smem:$0x3FAE] =	sst s5  }
0xe: {  	[smem:$0x3FAF] =	sst s6  }
0xf: {  	[smem:$0x3FB0] =	sst s7  }
0x10: {  	[smem:$0x3FB1] =	sst s8  }
0x11: {  	[smem:$0x3FB2] =	sst s9;
	s0 =	simm.s32 @!p0 $0x0  }
0x12: {  	s1 =	sld [smem:$0x3F98];
	s0 =	simm.s32 @p0 $0x1  }
0x13: {  	[smem:$0x3FB3] =	sst s0;
	s0 =	simm.s32 @!p1 $0x0  }
0x14: {  	s2 =	sld [smem:$0x3F97];
	s0 =	simm.s32 @p1 $0x1  }
0x15: {  	[smem:$0x3FB4] =	sst s0;
	s0 =	simm.s32 @!p2 $0x0  }
0x16: {  	s3 =	sld [smem:$0x3FDB];
	s0 =	simm.s32 @p2 $0x1  }
0x17: {  	s4 =	simm.s32 $0x1BF5;
	[smem:$0x3FB6] =	sst s0  }
0x18: {  	s0 =	sld [smem:$0x3F99];
	_ =	swait.ge [sflag:s4], $0x0  }
0x19: {  	s7 =	sld [smem:$0x3F9A]  }
0x1a: {  	s8 =	sadd.s32 $0xFFFFE003, lr  }
0x1b: {  	s9 =	sadd.s32 $0xFFFFFEF7, lr;
	s5 =	simm.s32 $0xFFFFFFFF;
	p2 =	slt.u32 s8, $0xFFFFF086  }
0x1c: {  	p1 =	slt.u32 s9, $0xF7A;
	s5 =	simm.s32 @!p2 $0x0  }
0x1d: {  	s5 =	simm.s32 @p1 $0x1;
	p0 =	seq.s32 s7, s2  }
0x1e: {  	s7 =	smul.u32 @!p0 $0xF7A, s2;
	p2 =	seq.s32 @!p0 s5, $0x0  }
0x1f: {  	s9 =	smul.u32 $0xF7A, s1;
	s8 =	simm.s32 @!p0 $0x1BF5;
	p2 =	por !p2, p0  }
0x20: {  	[sflag:s8] =	ssyncset.s32 @!p0 $0xFFFFF086;
	s6 =	sadd.s32 @!p0 s3, s7;
	s7 =	simm.s32 @!p0 $0x108  }
0x21: {  	s3 =	sadd.s32 s3, s9;
	s6 =	sadd.s32 @!p0 $0x88, s6;
	s7 =	simm.s32 @p2 $0x1082  }
0x22: {  	[simem:s7], [sflag:s8] =	dma.local @!p0 [hbm:s6], $0xF7A  }
0x23: {  	s9 =	sor.u32 $0xD0000000, s2;
	s6 =	simm.s32 $0x108;
	_ =	swait.ge @!p0 [sflag:s8], $0x0  }
0x24: {  	s3 =	sadd.s32 $0x88, s3;
	s6 =	simm.s32 @!p1 $0x1082;
	[sflag:s4] =	ssyncset.s32 $0xFFFFF086  }
0x25: {  	[simem:s6], [sflag:s4] =	dma.local [hbm:s3], $0xF7A  }
0x26: {  	[smem:$0x3F9A] =	sst s1;
	(tag) =	ssettag s2;
	_ =	strace s9  }
0x27: {  	s1 =	sld [smem:$0x3FAA]  }
0x28: {  	s2 =	sld [smem:$0x3FAB]  }
0x29: {  	s4 =	sld [smem:$0x3FAD]  }
0x2a: {  	p0 =	seq.s32 s5, $0x0;
	s5 =	sld [smem:$0x3FAE]  }
0x2b: {  	s6 =	sld [smem:$0x3FAF]  }
0x2c: {  	s7 =	sld [smem:$0x3FB0]  }
0x2d: {  	s3 =	simm.s32 $0x108;
	s8 =	sld [smem:$0x3FB1]  }
0x2e: {  	s3 =	simm.s32 @!p0 $0x1082;
	s9 =	sld [smem:$0x3FB2]  }
0x2f: {  	lr =	sadd.s32 s0, s3;
	s0 =	sld [smem:$0x3FA9]  }
0x30: {  	s3 =	sld [smem:$0x3FAC]  }
0x31: {  	[smem:$0x3FB5] =	sst s10  }
0x32: {  	s10 =	sld [smem:$0x3FB3];
	_ =	sdelay $0x3  }
0x33: {  	p0 =	seq.s32 s10, $0x1;
	s10 =	sld [smem:$0x3FB5];
	_ =	sdelay $0x3  }
0x34: {  	[smem:$0x3FB5] =	sst s10  }
0x35: {  	s10 =	sld [smem:$0x3FB4];
	_ =	sdelay $0x3  }
0x36: {  	p1 =	seq.s32 s10, $0x1;
	s10 =	sld [smem:$0x3FB5];
	_ =	sdelay $0x3  }
0x37: {  	[smem:$0x3FB5] =	sst s10  }
0x38: {  	s10 =	sld [smem:$0x3FB6]  }
0x39: {  	_ = 	snop;
	(pc) =	sbr.ind lr, $3  }
0x3a: {  	_ = 	snop  }
0x3b: {  	_ = 	snop  }
0x3c: {  	p2 =	seq.s32 s10, $0x1;
	s10 =	sld [smem:$0x3FB5]  }
0x3d: {  	_ =	shalt  }
0x3e: {  	_ =	shalt  }
0x3f: {  	_ =	shalt  }
0x40: {  	_ =	shalt  }
0x41: {  	_ =	shalt  }
0x42: {  	_ =	shalt  }
0x43: {  	_ =	shalt  }
0x44: {  	_ =	shalt  }
0x45: {  	_ =	shalt  }
0x46: {  	_ =	shalt  }
0x47: {  	_ =	shalt  }
0x48: {  	_ =	shalt  }
0x49: {  	_ =	shalt  }
0x4a: {  	_ =	shalt  }
0x4b: {  	_ =	shalt  }
0x4c: {  	_ =	shalt  }
0x4d: {  	_ =	shalt  }
0x4e: {  	_ =	shalt  }
0x4f: {  	_ =	shalt  }
0x50: {  	_ =	shalt  }
0x51: {  	_ =	shalt  }
0x52: {  	_ =	shalt  }
0x53: {  	_ =	shalt  }
0x54: {  	_ =	shalt  }
0x55: {  	_ =	shalt  }
0x56: {  	_ =	shalt  }
0x57: {  	_ =	shalt  }
0x58: {  	_ =	shalt  }
0x59: {  	_ =	shalt  }
0x5a: {  	_ =	shalt  }
0x5b: {  	_ =	shalt  }
0x5c: {  	_ =	shalt  }
0x5d: {  	_ =	shalt  }
0x5e: {  	_ =	shalt  }
0x5f: {  	_ =	shalt  }
0x60: {  	_ =	shalt  }
0x61: {  	_ =	shalt  }
0x62: {  	_ =	shalt  }
0x63: {  	_ =	shalt  }
0x64: {  	_ =	shalt  }
0x65: {  	_ =	shalt  }
0x66: {  	_ =	shalt  }
0x67: {  	_ =	shalt  }
0x68: {  	_ =	shalt  }
0x69: {  	_ =	shalt  }
0x6a: {  	_ =	shalt  }
0x6b: {  	_ =	shalt  }
0x6c: {  	_ =	shalt  }
0x6d: {  	_ =	shalt  }
0x6e: {  	_ =	shalt  }
0x6f: {  	_ =	shalt  }
0x70: {  	_ =	shalt  }
0x71: {  	_ =	shalt  }
0x72: {  	_ =	shalt  }
0x73: {  	_ =	shalt  }
0x74: {  	_ =	shalt  }
0x75: {  	_ =	shalt  }
0x76: {  	_ =	shalt  }
0x77: {  	_ =	shalt  }
0x78: {  	_ =	shalt  }
0x79: {  	_ =	shalt  }
0x7a: {  	_ =	shalt  }
0x7b: {  	_ =	shalt  }
0x7c: {  	_ =	shalt  }
0x7d: {  	_ =	shalt  }
0x7e: {  	_ =	shalt  }
0x7f: {  	_ =	shalt  }
0x80: {  	_ =	shalt  }
0x81: {  	_ =	shalt  }
0x82: {  	_ =	shalt  }
0x83: {  	_ =	shalt  }
0x84: {  	_ =	shalt  }
0x85: {  	_ =	shalt  }
0x86: {  	_ =	shalt  }
0x87: {  	_ =	shalt  }
.Lfunc_end0:
.L_simem_size_0:
called_computation.1_lowered:
.L_overlay_start_0:
0x88: {  	s2 =	sld [smem:$0x3FD9]  }
0x89: {  	s3 =	sld [smem:$0x3FFE];
	_ =	sdelay $0x1  }
0x8a: {  	s1 =	srdreg.scid  }
0x8b: {  	s0 =	sand.u32 $0x1, s1  }
0x8c: {  	s16 =	sshll.u32 s0, $0xA;
	s2 =	sadd.s32 s3, s2  }
0x8d: {  	s2 =	sadd.s32 s2, s16  }
0x8e: {  	[smem:$0x3FC1] =	sst s2  }
0x8f: {  	_ = 	snop  }
0x90: {  	(tm) =	ssettm $0x1  }
0x91: {  	s17 =	sld [smem:$0x3FFB];
	_ =	sdelay $0x3  }
0x92: {  	_ =	strace s17  }
0x93: {  	s2 =	sld [smem:$0x3FFC];
	_ =	sdelay $0x3  }
0x94: {  	_ =	strace s2  }
0x95: {  	s2 =	sld [smem:$0x3FFD];
	_ =	sdelay $0x3  }
0x96: {  	_ =	strace s2  }
0x97: {  	_ =	strace $0x8FFFFFFF  }
0x98: {  	s18 =	sld [smem:$0x3FDB];
	_ =	sdelay $0x1  }
0x99: {  	s19 =	simm.s32 $_scs_section_size  }
0x9a: {  	s4 =	simm.s32 $_size__tile_overlayer_lowered;
	s5 =	simm.s32 $_tile_overlayer_lowered  }
0x9b: {  	s22 =	simm.s32 $0x1BFF;
	s21 =	sshll.u32 s5, $0x1;
	s2 =	sadd.s32 s19, s18  }
0x9c: {  	s6 =	simm.s32 $0x0;
	s20 =	sshll.u32 s4, $0x1;
	s4 =	sadd.s32 s21, s2  }
0x9d: {  	[timem:s6], [sflag:s22] =	dma.local [hbm:s4], s20  }
0x9e: {  	_ =	swait.ge [sflag:s22], s20  }
0x9f: {  	s3 =	ssub.s32 $0x0, s20;
	[sflag:s22] =	ssyncset.done $0x0  }
0xa0: {  	[sflag:s22] =	ssyncadd.s32 s3;
	_ =	sdelay $0x1  }
0xa1: {  	s23 =	simm.s32 $0x1B8B  }
0xa2: {  	_ =	swait.ge [sflag:s23], $0x1  }
0xa3: {  	[sflag:s23] =	ssyncset.done $0x0  }
0xa4: {  	s25 =	simm.s32 $0x1B8E;
	s24 =	sld [smem:$0x3FFE];
	[sflag:s23] =	ssyncadd.s32 $0xFFFFFFFF  }
0xa5: {  	s26 =	simm.s32 $execute0_lowered;
	[smem:$0x3FD2] =	sst s25  }
0xa6: {  	s4 =	sshll.u32 s26, $0x1;
	_ =	strace $0x80000049;
	[dreg:$0x1] =	wrdreg $0xFFFFFFFF  }
0xa7: {  	s28 =	simm.s32 $_size_execute0_lowered;
	s2 =	sadd.s32 s2, s4;
	[dreg:$0x0] =	wrdreg $0x0  }
0xa8: {  	s4 =	sshll.u32 s28, $0x1;
	[dreg:$0x2] =	wrdreg s2  }
0xa9: {  	[dreg:$0x3] =	wrdreg s4  }
0xaa: {  	[dreg:$0x4] =	wrdreg $0xC0  }
0xab: {  	_ =	task [dreg:s6], $0x5FFFF  }
0xac: {  	[dreg:$0x1] =	wrdreg $0xFFFFFFFF  }
0xad: {  	[dreg:$0x0] =	wrdreg $0x60  }
0xae: {  	[dreg:$0x2] =	wrdreg s24  }
0xaf: {  	[dreg:$0x3] =	wrdreg $0xB7800  }
0xb0: {  	[dreg:$0x4] =	wrdreg $0x9  }
0xb1: {  	_ =	task.clear_ibuf [dreg:s6], $0x5FFFF;
	_ =	strace $0x90000049  }
0xb2: {  	s29 =	simm.s32 $0x9;
	_ =	strace $0x8000004B  }
0xb3: {  	_ =	swait.ge [sflag:s29], $0x1  }
0xb4: {  	[sflag:s29] =	ssyncadd.s32 $0xFFFFFFFF  }
0xb5: {  	_ =	strace $0x9000004B  }
0xb6: {  	_ =	sfence  }
0xb7: {  	s30 =	sld [smem:$0x0];
	_ =	sdelay $0x2  }
0xb8: {  	s31 =	sshll.u32 s1, $0xD;
	s1 =	sshrl.u32 s1, $0x2  }
0xb9: {  	s3 =	sand.u32 $0x4000, s31;
	s1 =	sadd.s32 s1, s30  }
0xba: {  	s0 =	sor.u32 s3, s0;
	s1 =	sshll.u32 s1, $0x11  }
0xbb: {  	s0 =	sor.u32 s1, s0  }
0xbc: {  	s0 =	sadd.s32 $0x8F2B, s0  }
0xbd: {  	[sflag:s0] =	ssyncadd.remote.s32 $0x1  }
0xbe: {  	_ =	sfence.sel $0xFFFF  }
0xbf: {  	[dreg:$0x0] =	wrdreg $0xFFFFFFFF;
	(pc) =	sbr.abs _section_cstart, $3  }
0xc0: {  	[dreg:$0x1] =	wrdreg $0xFFFFFFFF  }
0xc1: {  	_ =	task.clear_ibuf [dreg:s6], $0x2FFFF;
	_ =	strace $0x9FFFFFFF  }
0xc2: {  	(tm) =	ssettm $0x7FFFFFFF  }
0xc3: {  	_ =	shalt  }
tec
execute0_lowered:
.L_overlay_start_1:
0x0: {  	(tag) =	ssettag $0x1  }
0x1: {  	s5 =	rddreg [dreg:$0x0]  }
0x2: {  	s2 =	rddreg [dreg:$0x1];
	s4 =	srdreg.scid  }
0x3: {  	s0 =	stileid.u32;
	s1 =	simm.s32 $0x0;
	s11 =	simm.s32 $0x5  }
0x4: {  	s12 =	simm.s32 $0x2800;
	s13 =	simm.s32 $0x80;
	s14 =	simm.s32 $0x5000  }
0x5: {  	s15 =	simm.s32 $0x5800;
	s16 =	simm.s32 $0x100;
	s17 =	simm.s32 $0x6000  }
0x6: {  	s18 =	simm.s32 $0x180;
	s19 =	simm.s32 $0x6800;
	s20 =	simm.s32 $0x1  }
0x7: {  	s21 =	simm.s32 $0x7000;
	s22 =	simm.s32 $0x7800;
	s23 =	simm.s32 $0x8000  }
0x8: {  	s24 =	simm.s32 $0x8800;
	s25 =	simm.s32 $0x2;
	s26 =	simm.s32 $0x3  }
0x9: {  	s28 =	simm.s32 $0x4;
	s29 =	simm.s32 $0x0;
	s4 =	sand.u32 $0x1, s4  }
0xa: {  	s6 =	smul.u32 $0x2780, s0;
	[smem:$0x7FF] =	sst s1;
	s7 =	sshll.u32 s4, $0x4  }
0xb: {  	s8 =	smul.u32 $0x27800, s4;
	_ =	strace $0x8000004A;
	s9 =	ssub.s32 $0x2, s4  }
0xc: {  	s4 =	sadd.s32 $0x16200, s5;
	s7 =	sor.u32 s0, s7;
	s10 =	sshrl.u32 s9, $0x1  }
0xd: {  	s7 =	smul.u32 $0x500, s7;
	s8 =	sadd.s32 s6, s8;
	s9 =	ssub.s32 s9, s10  }
0xe: {  	s10 =	simm.s32 $0x9000;
	s8 =	sshrl.u32 s8, $0x3;
	s9 =	smax.u32 s9, $0x1  }
0xf: {  	s7 =	sadd.s32 s7, s5;
	s8 =	sadd.s32 s8, s5;
	s5 =	sadd.s32 s6, s2  }
0x10: {  	v0 =	vimm.f32 $0.0e+00;
	s6 =	sadd.s32 $0xC200, s7;
	s7 =	sadd.s32 $0x1800, s7;
	s8 =	sadd.s32 $0x1B200, s8  }
.LBB2_1:
0x11: {  	s30 =	simm.s32 $0x40;
	s31 =	simm.s32 $0x0  }
.LBB2_2:
0x12: {  	p0 =	sne.s32 s30, $0x9DC0;
	[tilespmem:s31+$0x9000] =	vst v0;
	s31 =	smov.u32 s30;
	s30 =	sadd.s32 $0x40, s30  }
.Ltmp0:
0x13: {  	(pc) =	sbr.rel @p0 .LBB2_2-.Ltmp0, $2  }
0x14: {  	_ =	sdelay $0x2  }
0x15: {  	s31 =	sshra.s32 s31, $0x2  }
0x16: {  	[tilespmem:s31+$0x9000] =	vst v0  }
0x17: {  	[spmem:s5] =	stream.linear.scatter [tilespmem:s10], [sflag:$0x5], $0x2780, $0x38;
	[tilespmem:$0xDF00] =	vst v63  }
0x18: {  	_ =	swait.ge [sflag:s11], $0x2780  }
0x19: {  	[sflag:s11] =	ssyncset.done $0x0  }
0x1a: {  	s30 =	simm.s32 $0x0;
	[sflag:s11] =	ssyncadd.s32 $0xFFFFD880  }
0x1b: {  	[tilespmem:s30], [sflag:$0x5] =	stream.linear.gather [hbm4b:s6+s30], $0x2800, $0x38;
	[tilespmem:$0xDF00] =	vst v63  }
0x1c: {  	_ =	swait.ge [sflag:s11], $0x2800  }
0x1d: {  	[sflag:s11] =	ssyncset.done $0x0  }
0x1e: {  	[sflag:s11] =	ssyncadd.s32 $0xFFFFD800  }
0x1f: {  	[tilespmem:s12], [sflag:$0x5] =	stream.linear.gather [hbm4b:s7+s30], $0x2800, $0x38;
	[tilespmem:$0xDF00] =	vst v63  }
0x20: {  	_ =	swait.ge [sflag:s11], $0x2800  }
0x21: {  	[sflag:s11] =	ssyncset.done $0x0  }
0x22: {  	[sflag:s11] =	ssyncadd.s32 $0xFFFFD800  }
0x23: {  	[bflag:$0x0] =	sbarrier.arrive $0xFFFF  }
0x24: {  	[tilespmem:s14], [sflag:$0x1] =	stream.indirect.gather [hbm4b:s4+s13], $0x10, s30, s13, $0xb8;
	[tilespmem:$0xDF00] =	vst v63  }
0x25: {  	_ = 	snop  }
0x26: {  	[tilespmem:s15], [sflag:$0x1] =	stream.indirect.gather [hbm4b:s4+s13], $0x10, s13, s13, $0xb8;
	[tilespmem:$0xDF00] =	vst v63  }
0x27: {  	_ = 	snop  }
0x28: {  	[tilespmem:s17], [sflag:$0x1] =	stream.indirect.gather [hbm4b:s4+s13], $0x10, s16, s13, $0xb8;
	[tilespmem:$0xDF00] =	vst v63  }
0x29: {  	_ = 	snop  }
0x2a: {  	[tilespmem:s19], [sflag:$0x1] =	stream.indirect.gather [hbm4b:s4+s13], $0x10, s18, s13, $0xb8;
	[tilespmem:$0xDF00] =	vst v63  }
.LBB2_4:
0x2b: {  	_ =	swait.ge [sflag:s20], $0x800  }
0x2c: {  	[sflag:s20] =	ssyncset.done $0x0  }
0x2d: {  	[sflag:s20] =	ssyncadd.s32 $0xFFFFF800  }
0x2e: {  	_ =	swait.ge [sflag:s20], $0x800  }
0x2f: {  	[sflag:s20] =	ssyncset.done $0x0  }
0x30: {  	[sflag:s20] =	ssyncadd.s32 $0xFFFFF800  }
0x31: {  	_ =	swait.ge [sflag:s20], $0x800  }
0x32: {  	[sflag:s20] =	ssyncset.done $0x0  }
0x33: {  	[sflag:s20] =	ssyncadd.s32 $0xFFFFF800  }
0x34: {  	_ =	swait.ge [sflag:s20], $0x800  }
0x35: {  	s31 =	sshra.s32 s30, $0x2;
	[sflag:s20] =	ssyncset.done $0x0  }
0x36: {  	s0 =	sadd.s32 $0x2800, s31;
	[sflag:s20] =	ssyncadd.s32 $0xFFFFF800  }
0x37: {  	[spmem:s2] =	stream.indirect.scatter.add.f32 [tilespmem:s14], [sflag:$0x3], $0x10, s0, s13, $0xb8;
	[tilespmem:$0xDF00] =	vst v63  }
0x38: {  	s1 =	sadd.s32 $0x2880, s31  }
0x39: {  	[spmem:s2] =	stream.indirect.scatter.add.f32 [tilespmem:s15], [sflag:$0x3], $0x10, s1, s13, $0xb8;
	[tilespmem:$0xDF00] =	vst v63  }
0x3a: {  	p0 =	seq.s32 s30, $0x0;
	s3 =	sadd.s32 $0x2900, s31  }
0x3b: {  	[spmem:s2] =	stream.indirect.scatter.add.f32 [tilespmem:s17], [sflag:$0x3], $0x10, s3, s13, $0xb8;
	[tilespmem:$0xDF00] =	vst v63  }
0x3c: {  	s0 =	simm.s32 @!p0 $0x4;
	s1 =	sadd.s32 $0x2980, s31  }
0x3d: {  	[spmem:s2] =	stream.indirect.scatter.add.f32 [tilespmem:s19], [sflag:$0x3], $0x10, s1, s13, $0xb8;
	[tilespmem:$0xDF00] =	vst v63  }
0x3e: {  	_ =	swait.ge @!p0 [sflag:s0], $0x800  }
0x3f: {  	[sflag:s0] =	ssyncset.done @!p0 $0x0  }
0x40: {  	[sflag:s0] =	ssyncadd.s32 @!p0 $0xFFFFF800  }
0x41: {  	_ =	swait.ge @!p0 [sflag:s0], $0x800  }
0x42: {  	[sflag:s0] =	ssyncset.done @!p0 $0x0  }
0x43: {  	[sflag:s0] =	ssyncadd.s32 @!p0 $0xFFFFF800  }
0x44: {  	_ =	swait.ge @!p0 [sflag:s0], $0x800  }
0x45: {  	[sflag:s0] =	ssyncset.done @!p0 $0x0  }
0x46: {  	[sflag:s0] =	ssyncadd.s32 @!p0 $0xFFFFF800  }
0x47: {  	_ =	swait.ge @!p0 [sflag:s0], $0x800  }
0x48: {  	[sflag:s0] =	ssyncset.done @!p0 $0x0  }
0x49: {  	s3 =	sadd.s32 $0x200, s31;
	[sflag:s0] =	ssyncadd.s32 @!p0 $0xFFFFF800  }
0x4a: {  	[tilespmem:s21], [sflag:$0x2] =	stream.indirect.gather [hbm4b:s4+s13], $0x10, s3, s13, $0xb8;
	[tilespmem:$0xDF00] =	vst v63  }
0x4b: {  	s1 =	sadd.s32 $0x280, s31  }
0x4c: {  	[tilespmem:s22], [sflag:$0x2] =	stream.indirect.gather [hbm4b:s4+s13], $0x10, s1, s13, $0xb8;
	[tilespmem:$0xDF00] =	vst v63  }
0x4d: {  	s3 =	sadd.s32 $0x300, s31  }
0x4e: {  	[tilespmem:s23], [sflag:$0x2] =	stream.indirect.gather [hbm4b:s4+s13], $0x10, s3, s13, $0xb8;
	[tilespmem:$0xDF00] =	vst v63  }
0x4f: {  	s1 =	sadd.s32 $0x380, s31  }
0x50: {  	[tilespmem:s24], [sflag:$0x2] =	stream.indirect.gather [hbm4b:s4+s13], $0x10, s1, s13, $0xb8;
	[tilespmem:$0xDF00] =	vst v63  }
0x51: {  	_ =	swait.ge [sflag:s25], $0x800  }
0x52: {  	[sflag:s25] =	ssyncset.done $0x0  }
0x53: {  	[sflag:s25] =	ssyncadd.s32 $0xFFFFF800  }
0x54: {  	_ =	swait.ge [sflag:s25], $0x800  }
0x55: {  	[sflag:s25] =	ssyncset.done $0x0  }
0x56: {  	[sflag:s25] =	ssyncadd.s32 $0xFFFFF800  }
0x57: {  	_ =	swait.ge [sflag:s25], $0x800  }
0x58: {  	[sflag:s25] =	ssyncset.done $0x0  }
0x59: {  	[sflag:s25] =	ssyncadd.s32 $0xFFFFF800  }
0x5a: {  	_ =	swait.ge [sflag:s25], $0x800  }
0x5b: {  	[sflag:s25] =	ssyncset.done $0x0  }
0x5c: {  	s3 =	sadd.s32 $0x2A00, s31;
	[sflag:s25] =	ssyncadd.s32 $0xFFFFF800  }
0x5d: {  	[spmem:s2] =	stream.indirect.scatter.add.f32 [tilespmem:s21], [sflag:$0x4], $0x10, s3, s13, $0xb8;
	[tilespmem:$0xDF00] =	vst v63  }
0x5e: {  	s1 =	sadd.s32 $0x2A80, s31  }
0x5f: {  	[spmem:s2] =	stream.indirect.scatter.add.f32 [tilespmem:s22], [sflag:$0x4], $0x10, s1, s13, $0xb8;
	[tilespmem:$0xDF00] =	vst v63  }
0x60: {  	p0 =	seq.s32 s30, $0x9000;
	s3 =	sadd.s32 $0x2B00, s31  }
0x61: {  	[spmem:s2] =	stream.indirect.scatter.add.f32 [tilespmem:s23], [sflag:$0x4], $0x10, s3, s13, $0xb8;
	[tilespmem:$0xDF00] =	vst v63  }
0x62: {  	s0 =	simm.s32 @!p0 $0x3;
	s31 =	sadd.s32 $0x2B80, s31  }
0x63: {  	[spmem:s2] =	stream.indirect.scatter.add.f32 [tilespmem:s24], [sflag:$0x4], $0x10, s31, s13, $0xb8;
	[tilespmem:$0xDF00] =	vst v63  }
0x64: {  	_ =	swait.ge @!p0 [sflag:s0], $0x800  }
0x65: {  	[sflag:s0] =	ssyncset.done @!p0 $0x0  }
0x66: {  	[sflag:s0] =	ssyncadd.s32 @!p0 $0xFFFFF800  }
0x67: {  	_ =	swait.ge @!p0 [sflag:s0], $0x800  }
0x68: {  	[sflag:s0] =	ssyncset.done @!p0 $0x0  }
0x69: {  	[sflag:s0] =	ssyncadd.s32 @!p0 $0xFFFFF800  }
0x6a: {  	_ =	swait.ge @!p0 [sflag:s0], $0x800  }
0x6b: {  	[sflag:s0] =	ssyncset.done @!p0 $0x0  }
0x6c: {  	[sflag:s0] =	ssyncadd.s32 @!p0 $0xFFFFF800  }
0x6d: {  	_ =	swait.ge @!p0 [sflag:s0], $0x800  }
0x6e: {  	[sflag:s0] =	ssyncset.done @!p0 $0x0  }
0x6f: {  	[sflag:s0] =	ssyncadd.s32 @!p0 $0xFFFFF800;
	s0 =	sshra.s32 @!p0 s30, $0x2  }
0x70: {  	s1 =	simm.s32 @!p0 $0x80;
	s3 =	simm.s32 @!p0 $0x5000;
	s31 =	sadd.s32 @!p0 $0x400, s0  }
0x71: {  	[tilespmem:s3], [sflag:$0x1] =	stream.indirect.gather @!p0 [hbm4b:s4+s1], $0x10, s31, s1, $0xb8;
	[tilespmem:$0xDF00] =	vst v63  }
0x72: {  	s3 =	sadd.s32 @!p0 $0x480, s0;
	s31 =	simm.s32 @!p0 $0x5800  }
0x73: {  	[tilespmem:s31], [sflag:$0x1] =	stream.indirect.gather @!p0 [hbm4b:s4+s1], $0x10, s3, s1, $0xb8;
	[tilespmem:$0xDF00] =	vst v63  }
0x74: {  	s30 =	sadd.s32 @!p0 $0x1000, s30;
	s3 =	sadd.s32 @!p0 $0x500, s0;
	s31 =	simm.s32 @!p0 $0x6000  }
0x75: {  	[tilespmem:s31], [sflag:$0x1] =	stream.indirect.gather @!p0 [hbm4b:s4+s1], $0x10, s3, s1, $0xb8;
	[tilespmem:$0xDF00] =	vst v63  }
0x76: {  	p1 =	sne.s32 @!p0 s30, $0xA000;
	s0 =	sadd.s32 @!p0 $0x580, s0;
	s3 =	simm.s32 @!p0 $0x6800  }
0x77: {  	[tilespmem:s3], [sflag:$0x1] =	stream.indirect.gather @!p0 [hbm4b:s4+s1], $0x10, s0, s1, $0xb8;
	[tilespmem:$0xDF00] =	vst v63  }
0x78: {  	p0 =	por p0, !p1  }
.Ltmp1:
0x79: {  	_ = 	snop;
	(pc) =	sbr.rel @!p0 .LBB2_4-.Ltmp1, $1  }
0x7a: {  	_ =	sdelay $0x3  }
0x7b: {  	_ =	swait.ge [sflag:s26], $0x800  }
0x7c: {  	[sflag:s26] =	ssyncset.done $0x0  }
0x7d: {  	[sflag:s26] =	ssyncadd.s32 $0xFFFFF800  }
0x7e: {  	_ =	swait.ge [sflag:s26], $0x800  }
0x7f: {  	[sflag:s26] =	ssyncset.done $0x0  }
0x80: {  	[sflag:s26] =	ssyncadd.s32 $0xFFFFF800  }
0x81: {  	_ =	swait.ge [sflag:s26], $0x800  }
0x82: {  	[sflag:s26] =	ssyncset.done $0x0  }
0x83: {  	[sflag:s26] =	ssyncadd.s32 $0xFFFFF800  }
0x84: {  	_ =	swait.ge [sflag:s26], $0x800  }
0x85: {  	[sflag:s26] =	ssyncset.done $0x0  }
0x86: {  	[sflag:s26] =	ssyncadd.s32 $0xFFFFF800  }
0x87: {  	_ =	swait.ge [sflag:s28], $0x800  }
0x88: {  	[sflag:s28] =	ssyncset.done $0x0  }
0x89: {  	[sflag:s28] =	ssyncadd.s32 $0xFFFFF800  }
0x8a: {  	_ =	swait.ge [sflag:s28], $0x800  }
0x8b: {  	[sflag:s28] =	ssyncset.done $0x0  }
0x8c: {  	[sflag:s28] =	ssyncadd.s32 $0xFFFFF800  }
0x8d: {  	_ =	swait.ge [sflag:s28], $0x800  }
0x8e: {  	[sflag:s28] =	ssyncset.done $0x0  }
0x8f: {  	[sflag:s28] =	ssyncadd.s32 $0xFFFFF800  }
0x90: {  	_ =	swait.ge [sflag:s28], $0x800  }
0x91: {  	[sflag:s28] =	ssyncset.done $0x0  }
0x92: {  	[sflag:s28] =	ssyncadd.s32 $0xFFFFF800  }
0x93: {  	[bflag:$0x0] =	sbarrier.arrive $0xFFFF  }
0x94: {  	[tilespmem:s10], [sflag:$0x5] =	stream.linear.gather [spmem:s5], $0x2780, $0x38;
	[tilespmem:$0xDF00] =	vst v63  }
0x95: {  	s29 =	sadd.s32 $0x1, s29;
	_ =	swait.ge [sflag:s11], $0x2780  }
0x96: {  	p0 =	sne.s32 s29, s9;
	[sflag:s11] =	ssyncset.done $0x0  }
.Ltmp2:
0x97: {  	s0 =	simm.s32 $0x0;
	[sflag:s11] =	ssyncadd.s32 $0xFFFFD880;
	(pc) =	sbr.rel @p0 .LBB2_1-.Ltmp2, $4  }
0x98: {  	[hbm4b:s8+s0] =	stream.linear.scatter [tilespmem:s10], [sflag:$0x5], $0x2780, $0x38;
	[tilespmem:$0xDF00] =	vst v63  }
0x99: {  	_ =	swait.ge [sflag:s11], $0x2780  }
0x9a: {  	[sflag:s11] =	ssyncset.done $0x0  }
0x9b: {  	[sflag:s11] =	ssyncadd.s32 $0xFFFFD880  }
0x9c: {  	_ =	sfence.sel $0x180000  }
0x9d: {  	[bflag:$0x0] =	sbarrier.arrive $0xFFFF  }
0x9e: {  	_ =	strace $0x9000004A  }
0x9f: {  	s0 =	stileid.u32;
	[bflag:$0x2] =	sbarrier.arrive $0xFFFF  }
0xa0: {  	p0 =	sne.s32 s0, $0x0;
	s0 =	rddreg [dreg:$0x2]  }
0xa1: {  	s0 =	sadd.s32 @!p0 $0x100000, s0  }
0xa2: {  	[sflag:s0] =	ssyncadd.tile.s32 @!p0 $0x1;
	_ =	shalt  }
.Lfunc_end2:
_tile_overlayer_lowered:
.L_overlay_start_2:
0xa3: {  	(tag) =	ssettag $0x2  }
0xa4: {  	s0 =	rddreg [dreg:$0x0];
	s2 =	stileid.u32  }
0xa5: {  	s1 =	rddreg [dreg:$0x1];
	p0 =	sne.s32 s2, $0x0  }
0xa6: {  	s3 =	rddreg [dreg:$0x2];
	[bflag:$0x3] =	sbarrier.arrive $0xFFFF;
	s2 =	simm.s32 @!p0 $0x1C05  }
0xa7: {  	[timem:s3], [sflag:s2] =	dma.local @!p0 [hbm:s0], s1  }
0xa8: {  	s0 =	simm.s32 @!p0 $0x5  }
0xa9: {  	_ =	swait.ge @!p0 [sflag:s0], s1  }
0xaa: {  	s1 =	ssub.s32 @!p0 $0x0, s1;
	[sflag:s0] =	ssyncset.done @!p0 $0x0  }
0xab: {  	[sflag:s0] =	ssyncadd.s32 @!p0 s1  }
0xac: {  	[bflag:$0x3] =	sbarrier.arrive $0xFFFF  }
0xad: {  	_ =	shalt  }

</sc_bundles>
